<compile_context>
chip_gen: v7x
topology: tpu7x:2x2x1
jax: 0.10.2.dev20260603
libtpu: 0.0.44.dev20260713+nightly
codegen_flags: <defaults>
</compile_context>

<pallas_src>
import functools

import jax
import jax.numpy as jnp
from jax import lax
from jax.experimental import pallas as pl
from jax.experimental.pallas import tpu as pltpu
from jax.experimental.pallas import tpu_sc as plsc

MODEL_DIM = 2048
N_EXPERTS = 16
N_TOKENS = 8192
BLK = 1024
GRID = N_TOKENS // BLK

NS = 16
CHUNK = N_TOKENS // NS
NG = CHUNK // 16


def _gate_block(x_ref, wg_ref, gates_ref, idx_ref, laux_ref, hists_ref,
                cnt_ref, me_ref):
    pid = pl.program_id(0)

    @pl.when(pid == 0)
    def _init():
        cnt_ref[...] = jnp.zeros_like(cnt_ref)
        me_ref[...] = jnp.zeros_like(me_ref)

    w = wg_ref[...]
    logits = jax.lax.dot_general(
        w, x_ref[...], (((1,), (1,)), ((), ())),
        preferred_element_type=jnp.float32)

    maxv = jnp.max(logits, axis=0, keepdims=True)
    ex = jnp.exp(logits - maxv)
    s = jnp.sum(ex, axis=0, keepdims=True)
    gates_ref[...] = jnp.reshape(1.0 / s, (BLK,))

    eidx = jax.lax.broadcasted_iota(jnp.int32, (N_EXPERTS, BLK), 0)
    cand = jnp.where(logits == maxv, eidx, N_EXPERTS)
    idx = jnp.min(cand, axis=0, keepdims=True)
    idx_ref[...] = jnp.reshape(idx, (BLK,))

    mask = (eidx == idx).astype(jnp.float32)
    ci = jax.lax.broadcasted_iota(jnp.int32, (BLK // CHUNK, BLK), 1)
    ri = jax.lax.broadcasted_iota(jnp.int32, (BLK // CHUNK, BLK), 0)
    cmask = ((ci >> 9) == ri).astype(jnp.float32)
    hb = jax.lax.dot_general(
        cmask, mask, (((1,), (1,)), ((), ())),
        preferred_element_type=jnp.float32)
    hists_ref[...] = jnp.reshape(hb.astype(jnp.int32),
                                 (1, BLK // CHUNK, N_EXPERTS))
    cnt_ref[...] = cnt_ref[...] + jnp.sum(mask, axis=1, keepdims=True)
    me_ref[...] = me_ref[...] + jnp.sum(ex / s, axis=1, keepdims=True)

    @pl.when(pid == GRID - 1)
    def _fini():
        val = jnp.sum(me_ref[...] * cnt_ref[...]) * (
            N_EXPERTS / (N_TOKENS * N_TOKENS))
        laux_ref[...] = jnp.full((1, 1), val, dtype=jnp.float32)


def _tc_gate(input, wg):
    out_shapes = (
        jax.ShapeDtypeStruct((N_TOKENS,), jnp.float32),
        jax.ShapeDtypeStruct((N_TOKENS,), jnp.int32),
        jax.ShapeDtypeStruct((1, 1), jnp.float32),
        jax.ShapeDtypeStruct((GRID, BLK // CHUNK, N_EXPERTS), jnp.int32),
    )
    return pl.pallas_call(
        _gate_block,
        grid=(GRID,),
        in_specs=[
            pl.BlockSpec((BLK, MODEL_DIM), lambda i: (i, 0)),
            pl.BlockSpec((N_EXPERTS, MODEL_DIM), lambda i: (0, 0)),
        ],
        out_specs=(
            pl.BlockSpec((BLK,), lambda i: (i,)),
            pl.BlockSpec((BLK,), lambda i: (i,)),
            pl.BlockSpec((1, 1), lambda i: (0, 0)),
            pl.BlockSpec((1, BLK // CHUNK, N_EXPERTS), lambda i: (i, 0, 0)),
        ),
        out_shape=out_shapes,
        scratch_shapes=[
            pltpu.VMEM((N_EXPERTS, 1), jnp.float32),
            pltpu.VMEM((N_EXPERTS, 1), jnp.float32),
        ],
    )(input, wg)


def _sc_loc_body(idx_hbm, hist_hbm, loc_hbm, idxv, locv, hallv):
    s = lax.axis_index("s")
    base = s * CHUNK
    pltpu.sync_copy(idx_hbm.at[pl.ds(base, CHUNK)], idxv)
    pltpu.sync_copy(hist_hbm, hallv)
    lane = lax.iota(jnp.int32, 16)
    off = jnp.zeros((16,), jnp.int32)
    for w in range(NS):
        gate = jnp.where(s > w, 1, 0)
        off = off + hallv[pl.ds(w * 16, 16)] * gate

    def body1(g, cnt):
        v = idxv[pl.ds(pl.multiple_of(g * 16, 16), 16)]
        bvec = jnp.take_along_axis(cnt, v, axis=0)
        rank = jnp.zeros((16,), jnp.int32)
        hist = jnp.zeros((16,), jnp.int32)
        for l in range(16):
            el = jnp.take_along_axis(v, jnp.full((16,), l, jnp.int32), axis=0)
            m = v == el
            mm = jnp.logical_and(m, lane < l)
            r = plsc.all_reduce_population_count(mm)
            rank = jnp.where(lane == l, r, rank)
            hist = hist + jnp.where(lane == el, 1, 0)
        locv[pl.ds(pl.multiple_of(g * 16, 16), 16)] = bvec + rank
        return cnt + hist

    lax.fori_loop(0, NG, body1, off)
    pltpu.sync_copy(locv, loc_hbm.at[pl.ds(base, CHUNK)])


def _sc_loc(idx, hists):
    mesh = plsc.VectorSubcoreMesh(core_axis_name="c", subcore_axis_name="s",
                                  num_cores=1, num_subcores=NS)
    f = pl.kernel(
        _sc_loc_body,
        out_type=jax.ShapeDtypeStruct((N_TOKENS,), jnp.int32),
        mesh=mesh,
        scratch_types=[
            pltpu.VMEM((CHUNK,), jnp.int32),
            pltpu.VMEM((CHUNK,), jnp.int32),
            pltpu.VMEM((NS * 16,), jnp.int32),
        ],
        compiler_params=pltpu.CompilerParams(needs_layout_passes=False),
    )
    return f(idx, jnp.reshape(hists, (NS * 16,)))


def kernel(input, wg):
    gates1_s, idx, laux, hists = _tc_gate(input, wg)
    loc = _sc_loc(idx, hists)
    return (laux[0, 0], gates1_s, idx, loc)

# --- scband reference (transcript-rebuilt; emitter-appended) ---
"""Pipeline reference for scband-top1-gate-6536940225050 (READ-ONLY COPY).

The authoritative reference and input builder live on the scoring server;
editing this copy changes nothing except your own understanding.
"""

import jax, jax.numpy as jnp
import numpy as np

MODEL_DIM = 2048
NUM_EXPERTS = 16
NUM_TOKENS = 8192

def setup_inputs(seed: int = 0) -> dict:
    key = jax.random.key(seed)
    k1, k2 = jax.random.split(key)
    x = jax.random.normal(k1, (NUM_TOKENS, MODEL_DIM), dtype=jnp.float32)
    wg = jax.random.normal(k2, (NUM_EXPERTS, MODEL_DIM), dtype=jnp.float32) * (1.0 / np.sqrt(MODEL_DIM))
    return {"input": x, "wg": wg}

def reference(input, wg):
    # logits = self.wg(input)  (Linear with no bias)
    logits = input @ wg.T
    # indices1_s = argmax(logits, dim=1)
    indices1_s = jnp.argmax(logits, axis=1)
    # mask1 = one_hot(indices1_s)
    mask1 = jax.nn.one_hot(indices1_s, NUM_EXPERTS, dtype=jnp.float32)
    # gates = softmax(logits, dim=1)
    gates = jax.nn.softmax(logits, axis=1)
    # gates1_s = (gates * mask1).sum(dim=1)
    gates1_s = jnp.sum(gates * mask1, axis=1)
    # gating kernel: per-expert cumulative position of each token (tutel-style)
    locations1 = jnp.cumsum(mask1, axis=0) - 1.0
    locations1_s = jnp.sum(locations1 * mask1, axis=1)
    # fp32 load-balancing aux loss branch (gates are float32)
    me = jnp.sum(gates.astype(jnp.float32), axis=0)
    ce = jnp.sum(mask1.astype(jnp.float32), axis=0)
    l_aux = jnp.sum(me * ce) * (NUM_EXPERTS / (gates.shape[0] * gates.shape[0]))
    return (l_aux, gates1_s, indices1_s.astype(jnp.int32), locations1_s.astype(jnp.int32))

if __name__ == "__main__":
    import jax
    _d = setup_inputs()
    print(jax.jit(kernel)(*tuple(_d.values())))

</pallas_src>

<mosaic_0001>
#map = affine_map<(d0, d1) -> (0)>
module attributes {stable_mosaic.version = 14 : i64} {
  func.func @_sc_loc_body(%arg0: i32, %arg1: i32, %arg2: memref<8192xi32, #tpu.memory_space<hbm>>, %arg3: memref<256xi32, #tpu.memory_space<hbm>>, %arg4: memref<8192xi32, #tpu.memory_space<hbm>>, %arg5: memref<512xi32, #tpu.memory_space<vmem>>, %arg6: memref<512xi32, #tpu.memory_space<vmem>>, %arg7: memref<256xi32, #tpu.memory_space<vmem>>) attributes {dimension_semantics = [#tpu.dimension_semantics<core_parallel>, #tpu.dimension_semantics<subcore_parallel>], iteration_bounds = array<i64: 1, 16>, scalar_prefetch = 0 : i64, scratch_operands = 3 : i64, tpu.core_type = #tpu.core_type<sc_vector_subcore>, window_params = [{transform_indices = #map}, {transform_indices = #map}, {transform_indices = #map}]} {
    %mul3A = arith.constant 512 : i32
    %mul3A_0 = arith.muli %arg1, %mul3A : i32
    "tpu.region"() ({
      %run_scoped3A = tpu.sem_alloc : memref<!tpu.dma_semaphore, #tpu.memory_space<semaphore_mem>>
      %dma_start3A = tpu.memref_slice %arg2[%mul3A_0] : memref<8192xi32, #tpu.memory_space<hbm>> -> memref<512xi32, #tpu.memory_space<hbm>>
      %dma_start3A_162 = tpu.memref_slice %arg2[%mul3A_0] : memref<8192xi32, #tpu.memory_space<hbm>> -> memref<512xi32, #tpu.memory_space<hbm>>
      tpu.enqueue_dma source(%dma_start3A_162 : memref<512xi32, #tpu.memory_space<hbm>>) target(%arg5 : memref<512xi32, #tpu.memory_space<vmem>>) target_semaphore(%run_scoped3A : memref<!tpu.dma_semaphore, #tpu.memory_space<semaphore_mem>>)
      %dma_wait3A = tpu.memref_slice %arg2[%mul3A_0] : memref<8192xi32, #tpu.memory_space<hbm>> -> memref<512xi32, #tpu.memory_space<hbm>>
      %dma_wait3A_163 = tpu.memref_slice %arg2[%mul3A_0] : memref<8192xi32, #tpu.memory_space<hbm>> -> memref<512xi32, #tpu.memory_space<hbm>>
      tpu.wait_dma2 semaphore(%run_scoped3A : memref<!tpu.dma_semaphore, #tpu.memory_space<semaphore_mem>>) src(%dma_wait3A_163 : memref<512xi32, #tpu.memory_space<hbm>>) dst(%arg5 : memref<512xi32, #tpu.memory_space<vmem>>)
      tpu.yield
    }) : () -> ()
    "tpu.region"() ({
      %run_scoped3A = tpu.sem_alloc : memref<!tpu.dma_semaphore, #tpu.memory_space<semaphore_mem>>
      tpu.enqueue_dma source(%arg3 : memref<256xi32, #tpu.memory_space<hbm>>) target(%arg7 : memref<256xi32, #tpu.memory_space<vmem>>) target_semaphore(%run_scoped3A : memref<!tpu.dma_semaphore, #tpu.memory_space<semaphore_mem>>)
      tpu.wait_dma2 semaphore(%run_scoped3A : memref<!tpu.dma_semaphore, #tpu.memory_space<semaphore_mem>>) src(%arg3 : memref<256xi32, #tpu.memory_space<hbm>>) dst(%arg7 : memref<256xi32, #tpu.memory_space<vmem>>)
      tpu.yield
    }) : () -> ()
    %iota3A = tpu.iota {dimensions = array<i32: 0>} : vector<16xi32>
    %broadcast_in_dim3A = arith.constant 0 : i32
    %broadcast_in_dim3A_1 = vector.broadcast %broadcast_in_dim3A : i32 to vector<16xi32>
    %gt3A = arith.constant 0 : i32
    %gt3A_2 = arith.cmpi sgt, %arg1, %gt3A : i32
    %jit3A = arith.constant 1 : i32
    %jit3A_3 = arith.constant 0 : i32
    %select_n3A = arith.select %gt3A_2, %jit3A, %jit3A_3 : i32
    %get3A = arith.constant 0 : index
    %get3A_4 = tpu.vector_load %arg7[%get3A] {strides = array<i32>} : memref<256xi32, #tpu.memory_space<vmem>>, vector<16xi32>,
    %mul3A_5 = vector.broadcast %select_n3A : i32 to vector<16xi32>
    %mul3A_6 = arith.muli %get3A_4, %mul3A_5 : vector<16xi32>
    %add3A = arith.addi %broadcast_in_dim3A_1, %mul3A_6 : vector<16xi32>
    %gt3A_7 = arith.constant 1 : i32
    %gt3A_8 = arith.cmpi sgt, %arg1, %gt3A_7 : i32
    %jit3A_9 = arith.constant 1 : i32
    %jit3A_10 = arith.constant 0 : i32
    %select_n3A_11 = arith.select %gt3A_8, %jit3A_9, %jit3A_10 : i32
    %get3A_12 = arith.constant 16 : index
    %get3A_13 = tpu.vector_load %arg7[%get3A_12] {strides = array<i32>} : memref<256xi32, #tpu.memory_space<vmem>>, vector<16xi32>,
    %mul3A_14 = vector.broadcast %select_n3A_11 : i32 to vector<16xi32>
    %mul3A_15 = arith.muli %get3A_13, %mul3A_14 : vector<16xi32>
    %add3A_16 = arith.addi %add3A, %mul3A_15 : vector<16xi32>
    %gt3A_17 = arith.constant 2 : i32
    %gt3A_18 = arith.cmpi sgt, %arg1, %gt3A_17 : i32
    %jit3A_19 = arith.constant 1 : i32
    %jit3A_20 = arith.constant 0 : i32
    %select_n3A_21 = arith.select %gt3A_18, %jit3A_19, %jit3A_20 : i32
    %get3A_22 = arith.constant 32 : index
    %get3A_23 = tpu.vector_load %arg7[%get3A_22] {strides = array<i32>} : memref<256xi32, #tpu.memory_space<vmem>>, vector<16xi32>,
    %mul3A_24 = vector.broadcast %select_n3A_21 : i32 to vector<16xi32>
    %mul3A_25 = arith.muli %get3A_23, %mul3A_24 : vector<16xi32>
    %add3A_26 = arith.addi %add3A_16, %mul3A_25 : vector<16xi32>
    %gt3A_27 = arith.constant 3 : i32
    %gt3A_28 = arith.cmpi sgt, %arg1, %gt3A_27 : i32
    %jit3A_29 = arith.constant 1 : i32
    %jit3A_30 = arith.constant 0 : i32
    %select_n3A_31 = arith.select %gt3A_28, %jit3A_29, %jit3A_30 : i32
    %get3A_32 = arith.constant 48 : index
    %get3A_33 = tpu.vector_load %arg7[%get3A_32] {strides = array<i32>} : memref<256xi32, #tpu.memory_space<vmem>>, vector<16xi32>,
    %mul3A_34 = vector.broadcast %select_n3A_31 : i32 to vector<16xi32>
    %mul3A_35 = arith.muli %get3A_33, %mul3A_34 : vector<16xi32>
    %add3A_36 = arith.addi %add3A_26, %mul3A_35 : vector<16xi32>
    %gt3A_37 = arith.constant 4 : i32
    %gt3A_38 = arith.cmpi sgt, %arg1, %gt3A_37 : i32
    %jit3A_39 = arith.constant 1 : i32
    %jit3A_40 = arith.constant 0 : i32
    %select_n3A_41 = arith.select %gt3A_38, %jit3A_39, %jit3A_40 : i32
    %get3A_42 = arith.constant 64 : index
    %get3A_43 = tpu.vector_load %arg7[%get3A_42] {strides = array<i32>} : memref<256xi32, #tpu.memory_space<vmem>>, vector<16xi32>,
    %mul3A_44 = vector.broadcast %select_n3A_41 : i32 to vector<16xi32>
    %mul3A_45 = arith.muli %get3A_43, %mul3A_44 : vector<16xi32>
    %add3A_46 = arith.addi %add3A_36, %mul3A_45 : vector<16xi32>
    %gt3A_47 = arith.constant 5 : i32
    %gt3A_48 = arith.cmpi sgt, %arg1, %gt3A_47 : i32
    %jit3A_49 = arith.constant 1 : i32
    %jit3A_50 = arith.constant 0 : i32
    %select_n3A_51 = arith.select %gt3A_48, %jit3A_49, %jit3A_50 : i32
    %get3A_52 = arith.constant 80 : index
    %get3A_53 = tpu.vector_load %arg7[%get3A_52] {strides = array<i32>} : memref<256xi32, #tpu.memory_space<vmem>>, vector<16xi32>,
    %mul3A_54 = vector.broadcast %select_n3A_51 : i32 to vector<16xi32>
    %mul3A_55 = arith.muli %get3A_53, %mul3A_54 : vector<16xi32>
    %add3A_56 = arith.addi %add3A_46, %mul3A_55 : vector<16xi32>
    %gt3A_57 = arith.constant 6 : i32
    %gt3A_58 = arith.cmpi sgt, %arg1, %gt3A_57 : i32
    %jit3A_59 = arith.constant 1 : i32
    %jit3A_60 = arith.constant 0 : i32
    %select_n3A_61 = arith.select %gt3A_58, %jit3A_59, %jit3A_60 : i32
    %get3A_62 = arith.constant 96 : index
    %get3A_63 = tpu.vector_load %arg7[%get3A_62] {strides = array<i32>} : memref<256xi32, #tpu.memory_space<vmem>>, vector<16xi32>,
    %mul3A_64 = vector.broadcast %select_n3A_61 : i32 to vector<16xi32>
    %mul3A_65 = arith.muli %get3A_63, %mul3A_64 : vector<16xi32>
    %add3A_66 = arith.addi %add3A_56, %mul3A_65 : vector<16xi32>
    %gt3A_67 = arith.constant 7 : i32
    %gt3A_68 = arith.cmpi sgt, %arg1, %gt3A_67 : i32
    %jit3A_69 = arith.constant 1 : i32
    %jit3A_70 = arith.constant 0 : i32
    %select_n3A_71 = arith.select %gt3A_68, %jit3A_69, %jit3A_70 : i32
    %get3A_72 = arith.constant 112 : index
    %get3A_73 = tpu.vector_load %arg7[%get3A_72] {strides = array<i32>} : memref<256xi32, #tpu.memory_space<vmem>>, vector<16xi32>,
    %mul3A_74 = vector.broadcast %select_n3A_71 : i32 to vector<16xi32>
    %mul3A_75 = arith.muli %get3A_73, %mul3A_74 : vector<16xi32>
    %add3A_76 = arith.addi %add3A_66, %mul3A_75 : vector<16xi32>
    %gt3A_77 = arith.constant 8 : i32
    %gt3A_78 = arith.cmpi sgt, %arg1, %gt3A_77 : i32
    %jit3A_79 = arith.constant 1 : i32
    %jit3A_80 = arith.constant 0 : i32
    %select_n3A_81 = arith.select %gt3A_78, %jit3A_79, %jit3A_80 : i32
    %get3A_82 = arith.constant 128 : index
    %get3A_83 = tpu.vector_load %arg7[%get3A_82] {strides = array<i32>} : memref<256xi32, #tpu.memory_space<vmem>>, vector<16xi32>,
    %mul3A_84 = vector.broadcast %select_n3A_81 : i32 to vector<16xi32>
    %mul3A_85 = arith.muli %get3A_83, %mul3A_84 : vector<16xi32>
    %add3A_86 = arith.addi %add3A_76, %mul3A_85 : vector<16xi32>
    %gt3A_87 = arith.constant 9 : i32
    %gt3A_88 = arith.cmpi sgt, %arg1, %gt3A_87 : i32
    %jit3A_89 = arith.constant 1 : i32
    %jit3A_90 = arith.constant 0 : i32
    %select_n3A_91 = arith.select %gt3A_88, %jit3A_89, %jit3A_90 : i32
    %get3A_92 = arith.constant 144 : index
    %get3A_93 = tpu.vector_load %arg7[%get3A_92] {strides = array<i32>} : memref<256xi32, #tpu.memory_space<vmem>>, vector<16xi32>,
    %mul3A_94 = vector.broadcast %select_n3A_91 : i32 to vector<16xi32>
    %mul3A_95 = arith.muli %get3A_93, %mul3A_94 : vector<16xi32>
    %add3A_96 = arith.addi %add3A_86, %mul3A_95 : vector<16xi32>
    %gt3A_97 = arith.constant 10 : i32
    %gt3A_98 = arith.cmpi sgt, %arg1, %gt3A_97 : i32
    %jit3A_99 = arith.constant 1 : i32
    %jit3A_100 = arith.constant 0 : i32
    %select_n3A_101 = arith.select %gt3A_98, %jit3A_99, %jit3A_100 : i32
    %get3A_102 = arith.constant 160 : index
    %get3A_103 = tpu.vector_load %arg7[%get3A_102] {strides = array<i32>} : memref<256xi32, #tpu.memory_space<vmem>>, vector<16xi32>,
    %mul3A_104 = vector.broadcast %select_n3A_101 : i32 to vector<16xi32>
    %mul3A_105 = arith.muli %get3A_103, %mul3A_104 : vector<16xi32>
    %add3A_106 = arith.addi %add3A_96, %mul3A_105 : vector<16xi32>
    %gt3A_107 = arith.constant 11 : i32
    %gt3A_108 = arith.cmpi sgt, %arg1, %gt3A_107 : i32
    %jit3A_109 = arith.constant 1 : i32
    %jit3A_110 = arith.constant 0 : i32
    %select_n3A_111 = arith.select %gt3A_108, %jit3A_109, %jit3A_110 : i32
    %get3A_112 = arith.constant 176 : index
    %get3A_113 = tpu.vector_load %arg7[%get3A_112] {strides = array<i32>} : memref<256xi32, #tpu.memory_space<vmem>>, vector<16xi32>,
    %mul3A_114 = vector.broadcast %select_n3A_111 : i32 to vector<16xi32>
    %mul3A_115 = arith.muli %get3A_113, %mul3A_114 : vector<16xi32>
    %add3A_116 = arith.addi %add3A_106, %mul3A_115 : vector<16xi32>
    %gt3A_117 = arith.constant 12 : i32
    %gt3A_118 = arith.cmpi sgt, %arg1, %gt3A_117 : i32
    %jit3A_119 = arith.constant 1 : i32
    %jit3A_120 = arith.constant 0 : i32
    %select_n3A_121 = arith.select %gt3A_118, %jit3A_119, %jit3A_120 : i32
    %get3A_122 = arith.constant 192 : index
    %get3A_123 = tpu.vector_load %arg7[%get3A_122] {strides = array<i32>} : memref<256xi32, #tpu.memory_space<vmem>>, vector<16xi32>,
    %mul3A_124 = vector.broadcast %select_n3A_121 : i32 to vector<16xi32>
    %mul3A_125 = arith.muli %get3A_123, %mul3A_124 : vector<16xi32>
    %add3A_126 = arith.addi %add3A_116, %mul3A_125 : vector<16xi32>
    %gt3A_127 = arith.constant 13 : i32
    %gt3A_128 = arith.cmpi sgt, %arg1, %gt3A_127 : i32
    %jit3A_129 = arith.constant 1 : i32
    %jit3A_130 = arith.constant 0 : i32
    %select_n3A_131 = arith.select %gt3A_128, %jit3A_129, %jit3A_130 : i32
    %get3A_132 = arith.constant 208 : index
    %get3A_133 = tpu.vector_load %arg7[%get3A_132] {strides = array<i32>} : memref<256xi32, #tpu.memory_space<vmem>>, vector<16xi32>,
    %mul3A_134 = vector.broadcast %select_n3A_131 : i32 to vector<16xi32>
    %mul3A_135 = arith.muli %get3A_133, %mul3A_134 : vector<16xi32>
    %add3A_136 = arith.addi %add3A_126, %mul3A_135 : vector<16xi32>
    %gt3A_137 = arith.constant 14 : i32
    %gt3A_138 = arith.cmpi sgt, %arg1, %gt3A_137 : i32
    %jit3A_139 = arith.constant 1 : i32
    %jit3A_140 = arith.constant 0 : i32
    %select_n3A_141 = arith.select %gt3A_138, %jit3A_139, %jit3A_140 : i32
    %get3A_142 = arith.constant 224 : index
    %get3A_143 = tpu.vector_load %arg7[%get3A_142] {strides = array<i32>} : memref<256xi32, #tpu.memory_space<vmem>>, vector<16xi32>,
    %mul3A_144 = vector.broadcast %select_n3A_141 : i32 to vector<16xi32>
    %mul3A_145 = arith.muli %get3A_143, %mul3A_144 : vector<16xi32>
    %add3A_146 = arith.addi %add3A_136, %mul3A_145 : vector<16xi32>
    %gt3A_147 = arith.constant 15 : i32
    %gt3A_148 = arith.cmpi sgt, %arg1, %gt3A_147 : i32
    %jit3A_149 = arith.constant 1 : i32
    %jit3A_150 = arith.constant 0 : i32
    %select_n3A_151 = arith.select %gt3A_148, %jit3A_149, %jit3A_150 : i32
    %get3A_152 = arith.constant 240 : index
    %get3A_153 = tpu.vector_load %arg7[%get3A_152] {strides = array<i32>} : memref<256xi32, #tpu.memory_space<vmem>>, vector<16xi32>,
    %mul3A_154 = vector.broadcast %select_n3A_151 : i32 to vector<16xi32>
    %mul3A_155 = arith.muli %get3A_153, %mul3A_154 : vector<16xi32>
    %add3A_156 = arith.addi %add3A_146, %mul3A_155 : vector<16xi32>
    %scan3A = arith.constant 0 : i32
    %scan3A_157 = arith.constant 32 : i32
    %scan3A_158 = arith.addi %scan3A, %scan3A_157 : i32
    %scan3A_159 = arith.constant 1 : i32
    %scan3A_160 = scf.for %scan3A_162 = %scan3A to %scan3A_158 step %scan3A_159 iter_args(%scan3A_163 = %add3A_156) -> (vector<16xi32>)  : i32 {
      %mul3A_164 = arith.constant 16 : i32
      %mul3A_165 = arith.muli %scan3A_162, %mul3A_164 : i32
      %multiple_of3A = tpu.assume_multiple %mul3A_165, 16 : i32
      %get3A_166 = arith.index_cast %multiple_of3A : i32 to index
      %get3A_167 = tpu.vector_load %arg5[%get3A_166] {strides = array<i32>} : memref<512xi32, #tpu.memory_space<vmem>>, vector<16xi32>,
      %lt3A = arith.constant 0 : i32
      %lt3A_168 = vector.broadcast %lt3A : i32 to vector<16xi32>
      %lt3A_169 = arith.cmpi slt, %get3A_167, %lt3A_168 : vector<16xi32>
      %add3A_170 = arith.constant 16 : i32
      %add3A_171 = vector.broadcast %add3A_170 : i32 to vector<16xi32>
      %add3A_172 = arith.addi %get3A_167, %add3A_171 : vector<16xi32>
      %select_n3A_173 = arith.select %lt3A_169, %add3A_172, %get3A_167 : vector<16xi1>, vector<16xi32>
      %reshape3A = vector.shape_cast %select_n3A_173 : vector<16xi32> to vector<16x1xi32>
      %gather3A = vector.shape_cast %reshape3A : vector<16x1xi32> to vector<16xi32>
      %gather3A_174 = tpu.dynamic_gather %scan3A_163[%gather3A] in [0] : vector<16xi32>, vector<16xi32> -> vector<16xi32>
      %broadcast_in_dim3A_175 = arith.constant 0 : i32
      %broadcast_in_dim3A_176 = vector.broadcast %broadcast_in_dim3A_175 : i32 to vector<16xi32>
      %broadcast_in_dim3A_177 = arith.constant 0 : i32
      %broadcast_in_dim3A_178 = vector.broadcast %broadcast_in_dim3A_177 : i32 to vector<16xi32>
      %broadcast_in_dim3A_179 = arith.constant 0 : i32
      %broadcast_in_dim3A_180 = vector.broadcast %broadcast_in_dim3A_179 : i32 to vector<16xi32>
      %lt3A_181 = arith.constant 0 : i32
      %lt3A_182 = vector.broadcast %lt3A_181 : i32 to vector<16xi32>
      %lt3A_183 = arith.cmpi slt, %broadcast_in_dim3A_180, %lt3A_182 : vector<16xi32>
      %add3A_184 = arith.constant 16 : i32
      %add3A_185 = vector.broadcast %add3A_184 : i32 to vector<16xi32>
      %add3A_186 = arith.addi %broadcast_in_dim3A_180, %add3A_185 : vector<16xi32>
      %select_n3A_187 = arith.select %lt3A_183, %add3A_186, %broadcast_in_dim3A_180 : vector<16xi1>, vector<16xi32>
      %reshape3A_188 = vector.shape_cast %select_n3A_187 : vector<16xi32> to vector<16x1xi32>
      %gather3A_189 = vector.shape_cast %reshape3A_188 : vector<16x1xi32> to vector<16xi32>
      %gather3A_190 = tpu.dynamic_gather %get3A_167[%gather3A_189] in [0] : vector<16xi32>, vector<16xi32> -> vector<16xi32>
      %eq3A = arith.cmpi eq, %get3A_167, %gather3A_190 : vector<16xi32>
      %lt3A_191 = arith.constant 0 : i32
      %lt3A_192 = vector.broadcast %lt3A_191 : i32 to vector<16xi32>
      %lt3A_193 = arith.cmpi slt, %iota3A, %lt3A_192 : vector<16xi32>
      %and3A = arith.andi %eq3A, %lt3A_193 : vector<16xi1>
      %all_reduce_population_count3A = tpu.all_reduce %and3A {dim = 0 : i64, kind = #tpu.reduction_kind<sum>} : vector<16xi1> -> vector<16xi32>
      %eq3A_194 = arith.constant 0 : i32
      %eq3A_195 = vector.broadcast %eq3A_194 : i32 to vector<16xi32>
      %eq3A_196 = arith.cmpi eq, %iota3A, %eq3A_195 : vector<16xi32>
      %select_n3A_197 = arith.select %eq3A_196, %all_reduce_population_count3A, %broadcast_in_dim3A_176 : vector<16xi1>, vector<16xi32>
      %eq3A_198 = arith.cmpi eq, %iota3A, %gather3A_190 : vector<16xi32>
      %jit3A_199 = arith.constant 1 : i32
      %jit3A_200 = arith.constant 0 : i32
      %broadcast_in_dim3A_201 = vector.broadcast %jit3A_199 : i32 to vector<16xi32>
      %broadcast_in_dim3A_202 = vector.broadcast %jit3A_200 : i32 to vector<16xi32>
      %select_n3A_203 = arith.select %eq3A_198, %broadcast_in_dim3A_201, %broadcast_in_dim3A_202 : vector<16xi1>, vector<16xi32>
      %add3A_204 = arith.addi %broadcast_in_dim3A_178, %select_n3A_203 : vector<16xi32>
      %broadcast_in_dim3A_205 = arith.constant 1 : i32
      %broadcast_in_dim3A_206 = vector.broadcast %broadcast_in_dim3A_205 : i32 to vector<16xi32>
      %lt3A_207 = arith.constant 0 : i32
      %lt3A_208 = vector.broadcast %lt3A_207 : i32 to vector<16xi32>
      %lt3A_209 = arith.cmpi slt, %broadcast_in_dim3A_206, %lt3A_208 : vector<16xi32>
      %add3A_210 = arith.constant 16 : i32
      %add3A_211 = vector.broadcast %add3A_210 : i32 to vector<16xi32>
      %add3A_212 = arith.addi %broadcast_in_dim3A_206, %add3A_211 : vector<16xi32>
      %select_n3A_213 = arith.select %lt3A_209, %add3A_212, %broadcast_in_dim3A_206 : vector<16xi1>, vector<16xi32>
      %reshape3A_214 = vector.shape_cast %select_n3A_213 : vector<16xi32> to vector<16x1xi32>
      %gather3A_215 = vector.shape_cast %reshape3A_214 : vector<16x1xi32> to vector<16xi32>
      %gather3A_216 = tpu.dynamic_gather %get3A_167[%gather3A_215] in [0] : vector<16xi32>, vector<16xi32> -> vector<16xi32>
      %eq3A_217 = arith.cmpi eq, %get3A_167, %gather3A_216 : vector<16xi32>
      %lt3A_218 = arith.constant 1 : i32
      %lt3A_219 = vector.broadcast %lt3A_218 : i32 to vector<16xi32>
      %lt3A_220 = arith.cmpi slt, %iota3A, %lt3A_219 : vector<16xi32>
      %and3A_221 = arith.andi %eq3A_217, %lt3A_220 : vector<16xi1>
      %all_reduce_population_count3A_222 = tpu.all_reduce %and3A_221 {dim = 0 : i64, kind = #tpu.reduction_kind<sum>} : vector<16xi1> -> vector<16xi32>
      %eq3A_223 = arith.constant 1 : i32
      %eq3A_224 = vector.broadcast %eq3A_223 : i32 to vector<16xi32>
      %eq3A_225 = arith.cmpi eq, %iota3A, %eq3A_224 : vector<16xi32>
      %select_n3A_226 = arith.select %eq3A_225, %all_reduce_population_count3A_222, %select_n3A_197 : vector<16xi1>, vector<16xi32>
      %eq3A_227 = arith.cmpi eq, %iota3A, %gather3A_216 : vector<16xi32>
      %jit3A_228 = arith.constant 1 : i32
      %jit3A_229 = arith.constant 0 : i32
      %broadcast_in_dim3A_230 = vector.broadcast %jit3A_228 : i32 to vector<16xi32>
      %broadcast_in_dim3A_231 = vector.broadcast %jit3A_229 : i32 to vector<16xi32>
      %select_n3A_232 = arith.select %eq3A_227, %broadcast_in_dim3A_230, %broadcast_in_dim3A_231 : vector<16xi1>, vector<16xi32>
      %add3A_233 = arith.addi %add3A_204, %select_n3A_232 : vector<16xi32>
      %broadcast_in_dim3A_234 = arith.constant 2 : i32
      %broadcast_in_dim3A_235 = vector.broadcast %broadcast_in_dim3A_234 : i32 to vector<16xi32>
      %lt3A_236 = arith.constant 0 : i32
      %lt3A_237 = vector.broadcast %lt3A_236 : i32 to vector<16xi32>
      %lt3A_238 = arith.cmpi slt, %broadcast_in_dim3A_235, %lt3A_237 : vector<16xi32>
      %add3A_239 = arith.constant 16 : i32
      %add3A_240 = vector.broadcast %add3A_239 : i32 to vector<16xi32>
      %add3A_241 = arith.addi %broadcast_in_dim3A_235, %add3A_240 : vector<16xi32>
      %select_n3A_242 = arith.select %lt3A_238, %add3A_241, %broadcast_in_dim3A_235 : vector<16xi1>, vector<16xi32>
      %reshape3A_243 = vector.shape_cast %select_n3A_242 : vector<16xi32> to vector<16x1xi32>
      %gather3A_244 = vector.shape_cast %reshape3A_243 : vector<16x1xi32> to vector<16xi32>
      %gather3A_245 = tpu.dynamic_gather %get3A_167[%gather3A_244] in [0] : vector<16xi32>, vector<16xi32> -> vector<16xi32>
      %eq3A_246 = arith.cmpi eq, %get3A_167, %gather3A_245 : vector<16xi32>
      %lt3A_247 = arith.constant 2 : i32
      %lt3A_248 = vector.broadcast %lt3A_247 : i32 to vector<16xi32>
      %lt3A_249 = arith.cmpi slt, %iota3A, %lt3A_248 : vector<16xi32>
      %and3A_250 = arith.andi %eq3A_246, %lt3A_249 : vector<16xi1>
      %all_reduce_population_count3A_251 = tpu.all_reduce %and3A_250 {dim = 0 : i64, kind = #tpu.reduction_kind<sum>} : vector<16xi1> -> vector<16xi32>
      %eq3A_252 = arith.constant 2 : i32
      %eq3A_253 = vector.broadcast %eq3A_252 : i32 to vector<16xi32>
      %eq3A_254 = arith.cmpi eq, %iota3A, %eq3A_253 : vector<16xi32>
      %select_n3A_255 = arith.select %eq3A_254, %all_reduce_population_count3A_251, %select_n3A_226 : vector<16xi1>, vector<16xi32>
      %eq3A_256 = arith.cmpi eq, %iota3A, %gather3A_245 : vector<16xi32>
      %jit3A_257 = arith.constant 1 : i32
      %jit3A_258 = arith.constant 0 : i32
      %broadcast_in_dim3A_259 = vector.broadcast %jit3A_257 : i32 to vector<16xi32>
      %broadcast_in_dim3A_260 = vector.broadcast %jit3A_258 : i32 to vector<16xi32>
      %select_n3A_261 = arith.select %eq3A_256, %broadcast_in_dim3A_259, %broadcast_in_dim3A_260 : vector<16xi1>, vector<16xi32>
      %add3A_262 = arith.addi %add3A_233, %select_n3A_261 : vector<16xi32>
      %broadcast_in_dim3A_263 = arith.constant 3 : i32
      %broadcast_in_dim3A_264 = vector.broadcast %broadcast_in_dim3A_263 : i32 to vector<16xi32>
      %lt3A_265 = arith.constant 0 : i32
      %lt3A_266 = vector.broadcast %lt3A_265 : i32 to vector<16xi32>
      %lt3A_267 = arith.cmpi slt, %broadcast_in_dim3A_264, %lt3A_266 : vector<16xi32>
      %add3A_268 = arith.constant 16 : i32
      %add3A_269 = vector.broadcast %add3A_268 : i32 to vector<16xi32>
      %add3A_270 = arith.addi %broadcast_in_dim3A_264, %add3A_269 : vector<16xi32>
      %select_n3A_271 = arith.select %lt3A_267, %add3A_270, %broadcast_in_dim3A_264 : vector<16xi1>, vector<16xi32>
      %reshape3A_272 = vector.shape_cast %select_n3A_271 : vector<16xi32> to vector<16x1xi32>
      %gather3A_273 = vector.shape_cast %reshape3A_272 : vector<16x1xi32> to vector<16xi32>
      %gather3A_274 = tpu.dynamic_gather %get3A_167[%gather3A_273] in [0] : vector<16xi32>, vector<16xi32> -> vector<16xi32>
      %eq3A_275 = arith.cmpi eq, %get3A_167, %gather3A_274 : vector<16xi32>
      %lt3A_276 = arith.constant 3 : i32
      %lt3A_277 = vector.broadcast %lt3A_276 : i32 to vector<16xi32>
      %lt3A_278 = arith.cmpi slt, %iota3A, %lt3A_277 : vector<16xi32>
      %and3A_279 = arith.andi %eq3A_275, %lt3A_278 : vector<16xi1>
      %all_reduce_population_count3A_280 = tpu.all_reduce %and3A_279 {dim = 0 : i64, kind = #tpu.reduction_kind<sum>} : vector<16xi1> -> vector<16xi32>
      %eq3A_281 = arith.constant 3 : i32
      %eq3A_282 = vector.broadcast %eq3A_281 : i32 to vector<16xi32>
      %eq3A_283 = arith.cmpi eq, %iota3A, %eq3A_282 : vector<16xi32>
      %select_n3A_284 = arith.select %eq3A_283, %all_reduce_population_count3A_280, %select_n3A_255 : vector<16xi1>, vector<16xi32>
      %eq3A_285 = arith.cmpi eq, %iota3A, %gather3A_274 : vector<16xi32>
      %jit3A_286 = arith.constant 1 : i32
      %jit3A_287 = arith.constant 0 : i32
      %broadcast_in_dim3A_288 = vector.broadcast %jit3A_286 : i32 to vector<16xi32>
      %broadcast_in_dim3A_289 = vector.broadcast %jit3A_287 : i32 to vector<16xi32>
      %select_n3A_290 = arith.select %eq3A_285, %broadcast_in_dim3A_288, %broadcast_in_dim3A_289 : vector<16xi1>, vector<16xi32>
      %add3A_291 = arith.addi %add3A_262, %select_n3A_290 : vector<16xi32>
      %broadcast_in_dim3A_292 = arith.constant 4 : i32
      %broadcast_in_dim3A_293 = vector.broadcast %broadcast_in_dim3A_292 : i32 to vector<16xi32>
      %lt3A_294 = arith.constant 0 : i32
      %lt3A_295 = vector.broadcast %lt3A_294 : i32 to vector<16xi32>
      %lt3A_296 = arith.cmpi slt, %broadcast_in_dim3A_293, %lt3A_295 : vector<16xi32>
      %add3A_297 = arith.constant 16 : i32
      %add3A_298 = vector.broadcast %add3A_297 : i32 to vector<16xi32>
      %add3A_299 = arith.addi %broadcast_in_dim3A_293, %add3A_298 : vector<16xi32>
      %select_n3A_300 = arith.select %lt3A_296, %add3A_299, %broadcast_in_dim3A_293 : vector<16xi1>, vector<16xi32>
      %reshape3A_301 = vector.shape_cast %select_n3A_300 : vector<16xi32> to vector<16x1xi32>
      %gather3A_302 = vector.shape_cast %reshape3A_301 : vector<16x1xi32> to vector<16xi32>
      %gather3A_303 = tpu.dynamic_gather %get3A_167[%gather3A_302] in [0] : vector<16xi32>, vector<16xi32> -> vector<16xi32>
      %eq3A_304 = arith.cmpi eq, %get3A_167, %gather3A_303 : vector<16xi32>
      %lt3A_305 = arith.constant 4 : i32
      %lt3A_306 = vector.broadcast %lt3A_305 : i32 to vector<16xi32>
      %lt3A_307 = arith.cmpi slt, %iota3A, %lt3A_306 : vector<16xi32>
      %and3A_308 = arith.andi %eq3A_304, %lt3A_307 : vector<16xi1>
      %all_reduce_population_count3A_309 = tpu.all_reduce %and3A_308 {dim = 0 : i64, kind = #tpu.reduction_kind<sum>} : vector<16xi1> -> vector<16xi32>
      %eq3A_310 = arith.constant 4 : i32
      %eq3A_311 = vector.broadcast %eq3A_310 : i32 to vector<16xi32>
      %eq3A_312 = arith.cmpi eq, %iota3A, %eq3A_311 : vector<16xi32>
      %select_n3A_313 = arith.select %eq3A_312, %all_reduce_population_count3A_309, %select_n3A_284 : vector<16xi1>, vector<16xi32>
      %eq3A_314 = arith.cmpi eq, %iota3A, %gather3A_303 : vector<16xi32>
      %jit3A_315 = arith.constant 1 : i32
      %jit3A_316 = arith.constant 0 : i32
      %broadcast_in_dim3A_317 = vector.broadcast %jit3A_315 : i32 to vector<16xi32>
      %broadcast_in_dim3A_318 = vector.broadcast %jit3A_316 : i32 to vector<16xi32>
      %select_n3A_319 = arith.select %eq3A_314, %broadcast_in_dim3A_317, %broadcast_in_dim3A_318 : vector<16xi1>, vector<16xi32>
      %add3A_320 = arith.addi %add3A_291, %select_n3A_319 : vector<16xi32>
      %broadcast_in_dim3A_321 = arith.constant 5 : i32
      %broadcast_in_dim3A_322 = vector.broadcast %broadcast_in_dim3A_321 : i32 to vector<16xi32>
      %lt3A_323 = arith.constant 0 : i32
      %lt3A_324 = vector.broadcast %lt3A_323 : i32 to vector<16xi32>
      %lt3A_325 = arith.cmpi slt, %broadcast_in_dim3A_322, %lt3A_324 : vector<16xi32>
      %add3A_326 = arith.constant 16 : i32
      %add3A_327 = vector.broadcast %add3A_326 : i32 to vector<16xi32>
      %add3A_328 = arith.addi %broadcast_in_dim3A_322, %add3A_327 : vector<16xi32>
      %select_n3A_329 = arith.select %lt3A_325, %add3A_328, %broadcast_in_dim3A_322 : vector<16xi1>, vector<16xi32>
      %reshape3A_330 = vector.shape_cast %select_n3A_329 : vector<16xi32> to vector<16x1xi32>
      %gather3A_331 = vector.shape_cast %reshape3A_330 : vector<16x1xi32> to vector<16xi32>
      %gather3A_332 = tpu.dynamic_gather %get3A_167[%gather3A_331] in [0] : vector<16xi32>, vector<16xi32> -> vector<16xi32>
      %eq3A_333 = arith.cmpi eq, %get3A_167, %gather3A_332 : vector<16xi32>
      %lt3A_334 = arith.constant 5 : i32
      %lt3A_335 = vector.broadcast %lt3A_334 : i32 to vector<16xi32>
      %lt3A_336 = arith.cmpi slt, %iota3A, %lt3A_335 : vector<16xi32>
      %and3A_337 = arith.andi %eq3A_333, %lt3A_336 : vector<16xi1>
      %all_reduce_population_count3A_338 = tpu.all_reduce %and3A_337 {dim = 0 : i64, kind = #tpu.reduction_kind<sum>} : vector<16xi1> -> vector<16xi32>
      %eq3A_339 = arith.constant 5 : i32
      %eq3A_340 = vector.broadcast %eq3A_339 : i32 to vector<16xi32>
      %eq3A_341 = arith.cmpi eq, %iota3A, %eq3A_340 : vector<16xi32>
      %select_n3A_342 = arith.select %eq3A_341, %all_reduce_population_count3A_338, %select_n3A_313 : vector<16xi1>, vector<16xi32>
      %eq3A_343 = arith.cmpi eq, %iota3A, %gather3A_332 : vector<16xi32>
      %jit3A_344 = arith.constant 1 : i32
      %jit3A_345 = arith.constant 0 : i32
      %broadcast_in_dim3A_346 = vector.broadcast %jit3A_344 : i32 to vector<16xi32>
      %broadcast_in_dim3A_347 = vector.broadcast %jit3A_345 : i32 to vector<16xi32>
      %select_n3A_348 = arith.select %eq3A_343, %broadcast_in_dim3A_346, %broadcast_in_dim3A_347 : vector<16xi1>, vector<16xi32>
      %add3A_349 = arith.addi %add3A_320, %select_n3A_348 : vector<16xi32>
      %broadcast_in_dim3A_350 = arith.constant 6 : i32
      %broadcast_in_dim3A_351 = vector.broadcast %broadcast_in_dim3A_350 : i32 to vector<16xi32>
      %lt3A_352 = arith.constant 0 : i32
      %lt3A_353 = vector.broadcast %lt3A_352 : i32 to vector<16xi32>
      %lt3A_354 = arith.cmpi slt, %broadcast_in_dim3A_351, %lt3A_353 : vector<16xi32>
      %add3A_355 = arith.constant 16 : i32
      %add3A_356 = vector.broadcast %add3A_355 : i32 to vector<16xi32>
      %add3A_357 = arith.addi %broadcast_in_dim3A_351, %add3A_356 : vector<16xi32>
      %select_n3A_358 = arith.select %lt3A_354, %add3A_357, %broadcast_in_dim3A_351 : vector<16xi1>, vector<16xi32>
      %reshape3A_359 = vector.shape_cast %select_n3A_358 : vector<16xi32> to vector<16x1xi32>
      %gather3A_360 = vector.shape_cast %reshape3A_359 : vector<16x1xi32> to vector<16xi32>
      %gather3A_361 = tpu.dynamic_gather %get3A_167[%gather3A_360] in [0] : vector<16xi32>, vector<16xi32> -> vector<16xi32>
      %eq3A_362 = arith.cmpi eq, %get3A_167, %gather3A_361 : vector<16xi32>
      %lt3A_363 = arith.constant 6 : i32
      %lt3A_364 = vector.broadcast %lt3A_363 : i32 to vector<16xi32>
      %lt3A_365 = arith.cmpi slt, %iota3A, %lt3A_364 : vector<16xi32>
      %and3A_366 = arith.andi %eq3A_362, %lt3A_365 : vector<16xi1>
      %all_reduce_population_count3A_367 = tpu.all_reduce %and3A_366 {dim = 0 : i64, kind = #tpu.reduction_kind<sum>} : vector<16xi1> -> vector<16xi32>
      %eq3A_368 = arith.constant 6 : i32
      %eq3A_369 = vector.broadcast %eq3A_368 : i32 to vector<16xi32>
      %eq3A_370 = arith.cmpi eq, %iota3A, %eq3A_369 : vector<16xi32>
      %select_n3A_371 = arith.select %eq3A_370, %all_reduce_population_count3A_367, %select_n3A_342 : vector<16xi1>, vector<16xi32>
      %eq3A_372 = arith.cmpi eq, %iota3A, %gather3A_361 : vector<16xi32>
      %jit3A_373 = arith.constant 1 : i32
      %jit3A_374 = arith.constant 0 : i32
      %broadcast_in_dim3A_375 = vector.broadcast %jit3A_373 : i32 to vector<16xi32>
      %broadcast_in_dim3A_376 = vector.broadcast %jit3A_374 : i32 to vector<16xi32>
      %select_n3A_377 = arith.select %eq3A_372, %broadcast_in_dim3A_375, %broadcast_in_dim3A_376 : vector<16xi1>, vector<16xi32>
      %add3A_378 = arith.addi %add3A_349, %select_n3A_377 : vector<16xi32>
      %broadcast_in_dim3A_379 = arith.constant 7 : i32
      %broadcast_in_dim3A_380 = vector.broadcast %broadcast_in_dim3A_379 : i32 to vector<16xi32>
      %lt3A_381 = arith.constant 0 : i32
      %lt3A_382 = vector.broadcast %lt3A_381 : i32 to vector<16xi32>
      %lt3A_383 = arith.cmpi slt, %broadcast_in_dim3A_380, %lt3A_382 : vector<16xi32>
      %add3A_384 = arith.constant 16 : i32
      %add3A_385 = vector.broadcast %add3A_384 : i32 to vector<16xi32>
      %add3A_386 = arith.addi %broadcast_in_dim3A_380, %add3A_385 : vector<16xi32>
      %select_n3A_387 = arith.select %lt3A_383, %add3A_386, %broadcast_in_dim3A_380 : vector<16xi1>, vector<16xi32>
      %reshape3A_388 = vector.shape_cast %select_n3A_387 : vector<16xi32> to vector<16x1xi32>
      %gather3A_389 = vector.shape_cast %reshape3A_388 : vector<16x1xi32> to vector<16xi32>
      %gather3A_390 = tpu.dynamic_gather %get3A_167[%gather3A_389] in [0] : vector<16xi32>, vector<16xi32> -> vector<16xi32>
      %eq3A_391 = arith.cmpi eq, %get3A_167, %gather3A_390 : vector<16xi32>
      %lt3A_392 = arith.constant 7 : i32
      %lt3A_393 = vector.broadcast %lt3A_392 : i32 to vector<16xi32>
      %lt3A_394 = arith.cmpi slt, %iota3A, %lt3A_393 : vector<16xi32>
      %and3A_395 = arith.andi %eq3A_391, %lt3A_394 : vector<16xi1>
      %all_reduce_population_count3A_396 = tpu.all_reduce %and3A_395 {dim = 0 : i64, kind = #tpu.reduction_kind<sum>} : vector<16xi1> -> vector<16xi32>
      %eq3A_397 = arith.constant 7 : i32
      %eq3A_398 = vector.broadcast %eq3A_397 : i32 to vector<16xi32>
      %eq3A_399 = arith.cmpi eq, %iota3A, %eq3A_398 : vector<16xi32>
      %select_n3A_400 = arith.select %eq3A_399, %all_reduce_population_count3A_396, %select_n3A_371 : vector<16xi1>, vector<16xi32>
      %eq3A_401 = arith.cmpi eq, %iota3A, %gather3A_390 : vector<16xi32>
      %jit3A_402 = arith.constant 1 : i32
      %jit3A_403 = arith.constant 0 : i32
      %broadcast_in_dim3A_404 = vector.broadcast %jit3A_402 : i32 to vector<16xi32>
      %broadcast_in_dim3A_405 = vector.broadcast %jit3A_403 : i32 to vector<16xi32>
      %select_n3A_406 = arith.select %eq3A_401, %broadcast_in_dim3A_404, %broadcast_in_dim3A_405 : vector<16xi1>, vector<16xi32>
      %add3A_407 = arith.addi %add3A_378, %select_n3A_406 : vector<16xi32>
      %broadcast_in_dim3A_408 = arith.constant 8 : i32
      %broadcast_in_dim3A_409 = vector.broadcast %broadcast_in_dim3A_408 : i32 to vector<16xi32>
      %lt3A_410 = arith.constant 0 : i32
      %lt3A_411 = vector.broadcast %lt3A_410 : i32 to vector<16xi32>
      %lt3A_412 = arith.cmpi slt, %broadcast_in_dim3A_409, %lt3A_411 : vector<16xi32>
      %add3A_413 = arith.constant 16 : i32
      %add3A_414 = vector.broadcast %add3A_413 : i32 to vector<16xi32>
      %add3A_415 = arith.addi %broadcast_in_dim3A_409, %add3A_414 : vector<16xi32>
      %select_n3A_416 = arith.select %lt3A_412, %add3A_415, %broadcast_in_dim3A_409 : vector<16xi1>, vector<16xi32>
      %reshape3A_417 = vector.shape_cast %select_n3A_416 : vector<16xi32> to vector<16x1xi32>
      %gather3A_418 = vector.shape_cast %reshape3A_417 : vector<16x1xi32> to vector<16xi32>
      %gather3A_419 = tpu.dynamic_gather %get3A_167[%gather3A_418] in [0] : vector<16xi32>, vector<16xi32> -> vector<16xi32>
      %eq3A_420 = arith.cmpi eq, %get3A_167, %gather3A_419 : vector<16xi32>
      %lt3A_421 = arith.constant 8 : i32
      %lt3A_422 = vector.broadcast %lt3A_421 : i32 to vector<16xi32>
      %lt3A_423 = arith.cmpi slt, %iota3A, %lt3A_422 : vector<16xi32>
      %and3A_424 = arith.andi %eq3A_420, %lt3A_423 : vector<16xi1>
      %all_reduce_population_count3A_425 = tpu.all_reduce %and3A_424 {dim = 0 : i64, kind = #tpu.reduction_kind<sum>} : vector<16xi1> -> vector<16xi32>
      %eq3A_426 = arith.constant 8 : i32
      %eq3A_427 = vector.broadcast %eq3A_426 : i32 to vector<16xi32>
      %eq3A_428 = arith.cmpi eq, %iota3A, %eq3A_427 : vector<16xi32>
      %select_n3A_429 = arith.select %eq3A_428, %all_reduce_population_count3A_425, %select_n3A_400 : vector<16xi1>, vector<16xi32>
      %eq3A_430 = arith.cmpi eq, %iota3A, %gather3A_419 : vector<16xi32>
      %jit3A_431 = arith.constant 1 : i32
      %jit3A_432 = arith.constant 0 : i32
      %broadcast_in_dim3A_433 = vector.broadcast %jit3A_431 : i32 to vector<16xi32>
      %broadcast_in_dim3A_434 = vector.broadcast %jit3A_432 : i32 to vector<16xi32>
      %select_n3A_435 = arith.select %eq3A_430, %broadcast_in_dim3A_433, %broadcast_in_dim3A_434 : vector<16xi1>, vector<16xi32>
      %add3A_436 = arith.addi %add3A_407, %select_n3A_435 : vector<16xi32>
      %broadcast_in_dim3A_437 = arith.constant 9 : i32
      %broadcast_in_dim3A_438 = vector.broadcast %broadcast_in_dim3A_437 : i32 to vector<16xi32>
      %lt3A_439 = arith.constant 0 : i32
      %lt3A_440 = vector.broadcast %lt3A_439 : i32 to vector<16xi32>
      %lt3A_441 = arith.cmpi slt, %broadcast_in_dim3A_438, %lt3A_440 : vector<16xi32>
      %add3A_442 = arith.constant 16 : i32
      %add3A_443 = vector.broadcast %add3A_442 : i32 to vector<16xi32>
      %add3A_444 = arith.addi %broadcast_in_dim3A_438, %add3A_443 : vector<16xi32>
      %select_n3A_445 = arith.select %lt3A_441, %add3A_444, %broadcast_in_dim3A_438 : vector<16xi1>, vector<16xi32>
      %reshape3A_446 = vector.shape_cast %select_n3A_445 : vector<16xi32> to vector<16x1xi32>
      %gather3A_447 = vector.shape_cast %reshape3A_446 : vector<16x1xi32> to vector<16xi32>
      %gather3A_448 = tpu.dynamic_gather %get3A_167[%gather3A_447] in [0] : vector<16xi32>, vector<16xi32> -> vector<16xi32>
      %eq3A_449 = arith.cmpi eq, %get3A_167, %gather3A_448 : vector<16xi32>
      %lt3A_450 = arith.constant 9 : i32
      %lt3A_451 = vector.broadcast %lt3A_450 : i32 to vector<16xi32>
      %lt3A_452 = arith.cmpi slt, %iota3A, %lt3A_451 : vector<16xi32>
      %and3A_453 = arith.andi %eq3A_449, %lt3A_452 : vector<16xi1>
      %all_reduce_population_count3A_454 = tpu.all_reduce %and3A_453 {dim = 0 : i64, kind = #tpu.reduction_kind<sum>} : vector<16xi1> -> vector<16xi32>
      %eq3A_455 = arith.constant 9 : i32
      %eq3A_456 = vector.broadcast %eq3A_455 : i32 to vector<16xi32>
      %eq3A_457 = arith.cmpi eq, %iota3A, %eq3A_456 : vector<16xi32>
      %select_n3A_458 = arith.select %eq3A_457, %all_reduce_population_count3A_454, %select_n3A_429 : vector<16xi1>, vector<16xi32>
      %eq3A_459 = arith.cmpi eq, %iota3A, %gather3A_448 : vector<16xi32>
      %jit3A_460 = arith.constant 1 : i32
      %jit3A_461 = arith.constant 0 : i32
      %broadcast_in_dim3A_462 = vector.broadcast %jit3A_460 : i32 to vector<16xi32>
      %broadcast_in_dim3A_463 = vector.broadcast %jit3A_461 : i32 to vector<16xi32>
      %select_n3A_464 = arith.select %eq3A_459, %broadcast_in_dim3A_462, %broadcast_in_dim3A_463 : vector<16xi1>, vector<16xi32>
      %add3A_465 = arith.addi %add3A_436, %select_n3A_464 : vector<16xi32>
      %broadcast_in_dim3A_466 = arith.constant 10 : i32
      %broadcast_in_dim3A_467 = vector.broadcast %broadcast_in_dim3A_466 : i32 to vector<16xi32>
      %lt3A_468 = arith.constant 0 : i32
      %lt3A_469 = vector.broadcast %lt3A_468 : i32 to vector<16xi32>
      %lt3A_470 = arith.cmpi slt, %broadcast_in_dim3A_467, %lt3A_469 : vector<16xi32>
      %add3A_471 = arith.constant 16 : i32
      %add3A_472 = vector.broadcast %add3A_471 : i32 to vector<16xi32>
      %add3A_473 = arith.addi %broadcast_in_dim3A_467, %add3A_472 : vector<16xi32>
      %select_n3A_474 = arith.select %lt3A_470, %add3A_473, %broadcast_in_dim3A_467 : vector<16xi1>, vector<16xi32>
      %reshape3A_475 = vector.shape_cast %select_n3A_474 : vector<16xi32> to vector<16x1xi32>
      %gather3A_476 = vector.shape_cast %reshape3A_475 : vector<16x1xi32> to vector<16xi32>
      %gather3A_477 = tpu.dynamic_gather %get3A_167[%gather3A_476] in [0] : vector<16xi32>, vector<16xi32> -> vector<16xi32>
      %eq3A_478 = arith.cmpi eq, %get3A_167, %gather3A_477 : vector<16xi32>
      %lt3A_479 = arith.constant 10 : i32
      %lt3A_480 = vector.broadcast %lt3A_479 : i32 to vector<16xi32>
      %lt3A_481 = arith.cmpi slt, %iota3A, %lt3A_480 : vector<16xi32>
      %and3A_482 = arith.andi %eq3A_478, %lt3A_481 : vector<16xi1>
      %all_reduce_population_count3A_483 = tpu.all_reduce %and3A_482 {dim = 0 : i64, kind = #tpu.reduction_kind<sum>} : vector<16xi1> -> vector<16xi32>
      %eq3A_484 = arith.constant 10 : i32
      %eq3A_485 = vector.broadcast %eq3A_484 : i32 to vector<16xi32>
      %eq3A_486 = arith.cmpi eq, %iota3A, %eq3A_485 : vector<16xi32>
      %select_n3A_487 = arith.select %eq3A_486, %all_reduce_population_count3A_483, %select_n3A_458 : vector<16xi1>, vector<16xi32>
      %eq3A_488 = arith.cmpi eq, %iota3A, %gather3A_477 : vector<16xi32>
      %jit3A_489 = arith.constant 1 : i32
      %jit3A_490 = arith.constant 0 : i32
      %broadcast_in_dim3A_491 = vector.broadcast %jit3A_489 : i32 to vector<16xi32>
      %broadcast_in_dim3A_492 = vector.broadcast %jit3A_490 : i32 to vector<16xi32>
      %select_n3A_493 = arith.select %eq3A_488, %broadcast_in_dim3A_491, %broadcast_in_dim3A_492 : vector<16xi1>, vector<16xi32>
      %add3A_494 = arith.addi %add3A_465, %select_n3A_493 : vector<16xi32>
      %broadcast_in_dim3A_495 = arith.constant 11 : i32
      %broadcast_in_dim3A_496 = vector.broadcast %broadcast_in_dim3A_495 : i32 to vector<16xi32>
      %lt3A_497 = arith.constant 0 : i32
      %lt3A_498 = vector.broadcast %lt3A_497 : i32 to vector<16xi32>
      %lt3A_499 = arith.cmpi slt, %broadcast_in_dim3A_496, %lt3A_498 : vector<16xi32>
      %add3A_500 = arith.constant 16 : i32
      %add3A_501 = vector.broadcast %add3A_500 : i32 to vector<16xi32>
      %add3A_502 = arith.addi %broadcast_in_dim3A_496, %add3A_501 : vector<16xi32>
      %select_n3A_503 = arith.select %lt3A_499, %add3A_502, %broadcast_in_dim3A_496 : vector<16xi1>, vector<16xi32>
      %reshape3A_504 = vector.shape_cast %select_n3A_503 : vector<16xi32> to vector<16x1xi32>
      %gather3A_505 = vector.shape_cast %reshape3A_504 : vector<16x1xi32> to vector<16xi32>
      %gather3A_506 = tpu.dynamic_gather %get3A_167[%gather3A_505] in [0] : vector<16xi32>, vector<16xi32> -> vector<16xi32>
      %eq3A_507 = arith.cmpi eq, %get3A_167, %gather3A_506 : vector<16xi32>
      %lt3A_508 = arith.constant 11 : i32
      %lt3A_509 = vector.broadcast %lt3A_508 : i32 to vector<16xi32>
      %lt3A_510 = arith.cmpi slt, %iota3A, %lt3A_509 : vector<16xi32>
      %and3A_511 = arith.andi %eq3A_507, %lt3A_510 : vector<16xi1>
      %all_reduce_population_count3A_512 = tpu.all_reduce %and3A_511 {dim = 0 : i64, kind = #tpu.reduction_kind<sum>} : vector<16xi1> -> vector<16xi32>
      %eq3A_513 = arith.constant 11 : i32
      %eq3A_514 = vector.broadcast %eq3A_513 : i32 to vector<16xi32>
      %eq3A_515 = arith.cmpi eq, %iota3A, %eq3A_514 : vector<16xi32>
      %select_n3A_516 = arith.select %eq3A_515, %all_reduce_population_count3A_512, %select_n3A_487 : vector<16xi1>, vector<16xi32>
      %eq3A_517 = arith.cmpi eq, %iota3A, %gather3A_506 : vector<16xi32>
      %jit3A_518 = arith.constant 1 : i32
      %jit3A_519 = arith.constant 0 : i32
      %broadcast_in_dim3A_520 = vector.broadcast %jit3A_518 : i32 to vector<16xi32>
      %broadcast_in_dim3A_521 = vector.broadcast %jit3A_519 : i32 to vector<16xi32>
      %select_n3A_522 = arith.select %eq3A_517, %broadcast_in_dim3A_520, %broadcast_in_dim3A_521 : vector<16xi1>, vector<16xi32>
      %add3A_523 = arith.addi %add3A_494, %select_n3A_522 : vector<16xi32>
      %broadcast_in_dim3A_524 = arith.constant 12 : i32
      %broadcast_in_dim3A_525 = vector.broadcast %broadcast_in_dim3A_524 : i32 to vector<16xi32>
      %lt3A_526 = arith.constant 0 : i32
      %lt3A_527 = vector.broadcast %lt3A_526 : i32 to vector<16xi32>
      %lt3A_528 = arith.cmpi slt, %broadcast_in_dim3A_525, %lt3A_527 : vector<16xi32>
      %add3A_529 = arith.constant 16 : i32
      %add3A_530 = vector.broadcast %add3A_529 : i32 to vector<16xi32>
      %add3A_531 = arith.addi %broadcast_in_dim3A_525, %add3A_530 : vector<16xi32>
      %select_n3A_532 = arith.select %lt3A_528, %add3A_531, %broadcast_in_dim3A_525 : vector<16xi1>, vector<16xi32>
      %reshape3A_533 = vector.shape_cast %select_n3A_532 : vector<16xi32> to vector<16x1xi32>
      %gather3A_534 = vector.shape_cast %reshape3A_533 : vector<16x1xi32> to vector<16xi32>
      %gather3A_535 = tpu.dynamic_gather %get3A_167[%gather3A_534] in [0] : vector<16xi32>, vector<16xi32> -> vector<16xi32>
      %eq3A_536 = arith.cmpi eq, %get3A_167, %gather3A_535 : vector<16xi32>
      %lt3A_537 = arith.constant 12 : i32
      %lt3A_538 = vector.broadcast %lt3A_537 : i32 to vector<16xi32>
      %lt3A_539 = arith.cmpi slt, %iota3A, %lt3A_538 : vector<16xi32>
      %and3A_540 = arith.andi %eq3A_536, %lt3A_539 : vector<16xi1>
      %all_reduce_population_count3A_541 = tpu.all_reduce %and3A_540 {dim = 0 : i64, kind = #tpu.reduction_kind<sum>} : vector<16xi1> -> vector<16xi32>
      %eq3A_542 = arith.constant 12 : i32
      %eq3A_543 = vector.broadcast %eq3A_542 : i32 to vector<16xi32>
      %eq3A_544 = arith.cmpi eq, %iota3A, %eq3A_543 : vector<16xi32>
      %select_n3A_545 = arith.select %eq3A_544, %all_reduce_population_count3A_541, %select_n3A_516 : vector<16xi1>, vector<16xi32>
      %eq3A_546 = arith.cmpi eq, %iota3A, %gather3A_535 : vector<16xi32>
      %jit3A_547 = arith.constant 1 : i32
      %jit3A_548 = arith.constant 0 : i32
      %broadcast_in_dim3A_549 = vector.broadcast %jit3A_547 : i32 to vector<16xi32>
      %broadcast_in_dim3A_550 = vector.broadcast %jit3A_548 : i32 to vector<16xi32>
      %select_n3A_551 = arith.select %eq3A_546, %broadcast_in_dim3A_549, %broadcast_in_dim3A_550 : vector<16xi1>, vector<16xi32>
      %add3A_552 = arith.addi %add3A_523, %select_n3A_551 : vector<16xi32>
      %broadcast_in_dim3A_553 = arith.constant 13 : i32
      %broadcast_in_dim3A_554 = vector.broadcast %broadcast_in_dim3A_553 : i32 to vector<16xi32>
      %lt3A_555 = arith.constant 0 : i32
      %lt3A_556 = vector.broadcast %lt3A_555 : i32 to vector<16xi32>
      %lt3A_557 = arith.cmpi slt, %broadcast_in_dim3A_554, %lt3A_556 : vector<16xi32>
      %add3A_558 = arith.constant 16 : i32
      %add3A_559 = vector.broadcast %add3A_558 : i32 to vector<16xi32>
      %add3A_560 = arith.addi %broadcast_in_dim3A_554, %add3A_559 : vector<16xi32>
      %select_n3A_561 = arith.select %lt3A_557, %add3A_560, %broadcast_in_dim3A_554 : vector<16xi1>, vector<16xi32>
      %reshape3A_562 = vector.shape_cast %select_n3A_561 : vector<16xi32> to vector<16x1xi32>
      %gather3A_563 = vector.shape_cast %reshape3A_562 : vector<16x1xi32> to vector<16xi32>
      %gather3A_564 = tpu.dynamic_gather %get3A_167[%gather3A_563] in [0] : vector<16xi32>, vector<16xi32> -> vector<16xi32>
      %eq3A_565 = arith.cmpi eq, %get3A_167, %gather3A_564 : vector<16xi32>
      %lt3A_566 = arith.constant 13 : i32
      %lt3A_567 = vector.broadcast %lt3A_566 : i32 to vector<16xi32>
      %lt3A_568 = arith.cmpi slt, %iota3A, %lt3A_567 : vector<16xi32>
      %and3A_569 = arith.andi %eq3A_565, %lt3A_568 : vector<16xi1>
      %all_reduce_population_count3A_570 = tpu.all_reduce %and3A_569 {dim = 0 : i64, kind = #tpu.reduction_kind<sum>} : vector<16xi1> -> vector<16xi32>
      %eq3A_571 = arith.constant 13 : i32
      %eq3A_572 = vector.broadcast %eq3A_571 : i32 to vector<16xi32>
      %eq3A_573 = arith.cmpi eq, %iota3A, %eq3A_572 : vector<16xi32>
      %select_n3A_574 = arith.select %eq3A_573, %all_reduce_population_count3A_570, %select_n3A_545 : vector<16xi1>, vector<16xi32>
      %eq3A_575 = arith.cmpi eq, %iota3A, %gather3A_564 : vector<16xi32>
      %jit3A_576 = arith.constant 1 : i32
      %jit3A_577 = arith.constant 0 : i32
      %broadcast_in_dim3A_578 = vector.broadcast %jit3A_576 : i32 to vector<16xi32>
      %broadcast_in_dim3A_579 = vector.broadcast %jit3A_577 : i32 to vector<16xi32>
      %select_n3A_580 = arith.select %eq3A_575, %broadcast_in_dim3A_578, %broadcast_in_dim3A_579 : vector<16xi1>, vector<16xi32>
      %add3A_581 = arith.addi %add3A_552, %select_n3A_580 : vector<16xi32>
      %broadcast_in_dim3A_582 = arith.constant 14 : i32
      %broadcast_in_dim3A_583 = vector.broadcast %broadcast_in_dim3A_582 : i32 to vector<16xi32>
      %lt3A_584 = arith.constant 0 : i32
      %lt3A_585 = vector.broadcast %lt3A_584 : i32 to vector<16xi32>
      %lt3A_586 = arith.cmpi slt, %broadcast_in_dim3A_583, %lt3A_585 : vector<16xi32>
      %add3A_587 = arith.constant 16 : i32
      %add3A_588 = vector.broadcast %add3A_587 : i32 to vector<16xi32>
      %add3A_589 = arith.addi %broadcast_in_dim3A_583, %add3A_588 : vector<16xi32>
      %select_n3A_590 = arith.select %lt3A_586, %add3A_589, %broadcast_in_dim3A_583 : vector<16xi1>, vector<16xi32>
      %reshape3A_591 = vector.shape_cast %select_n3A_590 : vector<16xi32> to vector<16x1xi32>
      %gather3A_592 = vector.shape_cast %reshape3A_591 : vector<16x1xi32> to vector<16xi32>
      %gather3A_593 = tpu.dynamic_gather %get3A_167[%gather3A_592] in [0] : vector<16xi32>, vector<16xi32> -> vector<16xi32>
      %eq3A_594 = arith.cmpi eq, %get3A_167, %gather3A_593 : vector<16xi32>
      %lt3A_595 = arith.constant 14 : i32
      %lt3A_596 = vector.broadcast %lt3A_595 : i32 to vector<16xi32>
      %lt3A_597 = arith.cmpi slt, %iota3A, %lt3A_596 : vector<16xi32>
      %and3A_598 = arith.andi %eq3A_594, %lt3A_597 : vector<16xi1>
      %all_reduce_population_count3A_599 = tpu.all_reduce %and3A_598 {dim = 0 : i64, kind = #tpu.reduction_kind<sum>} : vector<16xi1> -> vector<16xi32>
      %eq3A_600 = arith.constant 14 : i32
      %eq3A_601 = vector.broadcast %eq3A_600 : i32 to vector<16xi32>
      %eq3A_602 = arith.cmpi eq, %iota3A, %eq3A_601 : vector<16xi32>
      %select_n3A_603 = arith.select %eq3A_602, %all_reduce_population_count3A_599, %select_n3A_574 : vector<16xi1>, vector<16xi32>
      %eq3A_604 = arith.cmpi eq, %iota3A, %gather3A_593 : vector<16xi32>
      %jit3A_605 = arith.constant 1 : i32
      %jit3A_606 = arith.constant 0 : i32
      %broadcast_in_dim3A_607 = vector.broadcast %jit3A_605 : i32 to vector<16xi32>
      %broadcast_in_dim3A_608 = vector.broadcast %jit3A_606 : i32 to vector<16xi32>
      %select_n3A_609 = arith.select %eq3A_604, %broadcast_in_dim3A_607, %broadcast_in_dim3A_608 : vector<16xi1>, vector<16xi32>
      %add3A_610 = arith.addi %add3A_581, %select_n3A_609 : vector<16xi32>
      %broadcast_in_dim3A_611 = arith.constant 15 : i32
      %broadcast_in_dim3A_612 = vector.broadcast %broadcast_in_dim3A_611 : i32 to vector<16xi32>
      %lt3A_613 = arith.constant 0 : i32
      %lt3A_614 = vector.broadcast %lt3A_613 : i32 to vector<16xi32>
      %lt3A_615 = arith.cmpi slt, %broadcast_in_dim3A_612, %lt3A_614 : vector<16xi32>
      %add3A_616 = arith.constant 16 : i32
      %add3A_617 = vector.broadcast %add3A_616 : i32 to vector<16xi32>
      %add3A_618 = arith.addi %broadcast_in_dim3A_612, %add3A_617 : vector<16xi32>
      %select_n3A_619 = arith.select %lt3A_615, %add3A_618, %broadcast_in_dim3A_612 : vector<16xi1>, vector<16xi32>
      %reshape3A_620 = vector.shape_cast %select_n3A_619 : vector<16xi32> to vector<16x1xi32>
      %gather3A_621 = vector.shape_cast %reshape3A_620 : vector<16x1xi32> to vector<16xi32>
      %gather3A_622 = tpu.dynamic_gather %get3A_167[%gather3A_621] in [0] : vector<16xi32>, vector<16xi32> -> vector<16xi32>
      %eq3A_623 = arith.cmpi eq, %get3A_167, %gather3A_622 : vector<16xi32>
      %lt3A_624 = arith.constant 15 : i32
      %lt3A_625 = vector.broadcast %lt3A_624 : i32 to vector<16xi32>
      %lt3A_626 = arith.cmpi slt, %iota3A, %lt3A_625 : vector<16xi32>
      %and3A_627 = arith.andi %eq3A_623, %lt3A_626 : vector<16xi1>
      %all_reduce_population_count3A_628 = tpu.all_reduce %and3A_627 {dim = 0 : i64, kind = #tpu.reduction_kind<sum>} : vector<16xi1> -> vector<16xi32>
      %eq3A_629 = arith.constant 15 : i32
      %eq3A_630 = vector.broadcast %eq3A_629 : i32 to vector<16xi32>
      %eq3A_631 = arith.cmpi eq, %iota3A, %eq3A_630 : vector<16xi32>
      %select_n3A_632 = arith.select %eq3A_631, %all_reduce_population_count3A_628, %select_n3A_603 : vector<16xi1>, vector<16xi32>
      %eq3A_633 = arith.cmpi eq, %iota3A, %gather3A_622 : vector<16xi32>
      %jit3A_634 = arith.constant 1 : i32
      %jit3A_635 = arith.constant 0 : i32
      %broadcast_in_dim3A_636 = vector.broadcast %jit3A_634 : i32 to vector<16xi32>
      %broadcast_in_dim3A_637 = vector.broadcast %jit3A_635 : i32 to vector<16xi32>
      %select_n3A_638 = arith.select %eq3A_633, %broadcast_in_dim3A_636, %broadcast_in_dim3A_637 : vector<16xi1>, vector<16xi32>
      %add3A_639 = arith.addi %add3A_610, %select_n3A_638 : vector<16xi32>
      %add3A_640 = arith.addi %gather3A_174, %select_n3A_632 : vector<16xi32>
      %mul3A_641 = arith.constant 16 : i32
      %mul3A_642 = arith.muli %scan3A_162, %mul3A_641 : i32
      %multiple_of3A_643 = tpu.assume_multiple %mul3A_642, 16 : i32
      %swap3A = arith.index_cast %multiple_of3A_643 : i32 to index
      %swap3A_644 = tpu.vector_load %arg6[%swap3A] {strides = array<i32>} : memref<512xi32, #tpu.memory_space<vmem>>, vector<16xi32>,
      tpu.vector_store %arg6[%swap3A], %add3A_640 {strides = array<i32>} : memref<512xi32, #tpu.memory_space<vmem>>, vector<16xi32>,
      %add3A_645 = arith.addi %scan3A_163, %add3A_639 : vector<16xi32>
      scf.yield %add3A_645 : vector<16xi32>
    }
    %scan3A_161 = arith.constant 32 : i32
    "tpu.region"() ({
      %run_scoped3A = tpu.sem_alloc : memref<!tpu.dma_semaphore, #tpu.memory_space<semaphore_mem>>
      %dma_start3A = tpu.memref_slice %arg4[%mul3A_0] : memref<8192xi32, #tpu.memory_space<hbm>> -> memref<512xi32, #tpu.memory_space<hbm>>
      %dma_start3A_162 = tpu.memref_slice %arg4[%mul3A_0] : memref<8192xi32, #tpu.memory_space<hbm>> -> memref<512xi32, #tpu.memory_space<hbm>>
      tpu.enqueue_dma source(%arg6 : memref<512xi32, #tpu.memory_space<vmem>>) target(%dma_start3A_162 : memref<512xi32, #tpu.memory_space<hbm>>) target_semaphore(%run_scoped3A : memref<!tpu.dma_semaphore, #tpu.memory_space<semaphore_mem>>)
      %dma_wait3A = tpu.memref_slice %arg4[%mul3A_0] : memref<8192xi32, #tpu.memory_space<hbm>> -> memref<512xi32, #tpu.memory_space<hbm>>
      %dma_wait3A_163 = tpu.memref_slice %arg4[%mul3A_0] : memref<8192xi32, #tpu.memory_space<hbm>> -> memref<512xi32, #tpu.memory_space<hbm>>
      tpu.wait_dma2 semaphore(%run_scoped3A : memref<!tpu.dma_semaphore, #tpu.memory_space<semaphore_mem>>) src(%arg6 : memref<512xi32, #tpu.memory_space<vmem>>) dst(%dma_wait3A_163 : memref<512xi32, #tpu.memory_space<hbm>>)
      tpu.yield
    }) : () -> ()
    return
  }
}

module attributes {stable_mosaic.version = 14 : i64} {
  func.func @_gate_block(%arg0: i32, %arg1: memref<1024x2048xf32, #tpu.memory_space<vmem>>, %arg2: memref<16x2048xf32, #tpu.memory_space<vmem>>, %arg3: memref<1024xf32, #tpu.memory_space<vmem>>, %arg4: memref<1024xi32, #tpu.memory_space<vmem>>, %arg5: memref<1x1xf32, #tpu.memory_space<vmem>>, %arg6: memref<1x2x16xi32, #tpu.memory_space<vmem>>, %arg7: memref<16x1xf32, #tpu.memory_space<vmem>>, %arg8: memref<16x1xf32, #tpu.memory_space<vmem>>) attributes {dimension_semantics = [#tpu.dimension_semantics<arbitrary>], iteration_bounds = array<i64: 8>, scalar_prefetch = 0 : i64, scratch_operands = 2 : i64, tpu.core_type = #tpu.core_type<tc>, window_params = [{transform_indices = @transform_0, window_bounds = array<i64: 1024, 2048>}, {pipeline_mode = #tpu.pipeline_mode<synchronous>, transform_indices = @transform_1, window_bounds = array<i64: 16, 2048>}, {transform_indices = @transform_2, window_bounds = array<i64: 1024>}, {transform_indices = @transform_3, window_bounds = array<i64: 1024>}, {pipeline_mode = #tpu.pipeline_mode<synchronous>, transform_indices = @transform_4, window_bounds = array<i64: 1, 1>}, {transform_indices = @transform_5, window_bounds = array<i64: 1, 2, 16>}]} {
    %eq3A = arith.constant 0 : i32
    %eq3A_0 = arith.cmpi eq, %arg0, %eq3A : i32
    %convert_element_type3A = arith.extui %eq3A_0 : i1 to i32
    %cond3A = arith.constant 0 : i32
    %cond3A_1 = arith.cmpi ne, %convert_element_type3A, %cond3A : i32
    scf.if %cond3A_1 {
      %broadcast_in_dim3A_68 = arith.constant 0.000000e+00 : f32
      %broadcast_in_dim3A_69 = vector.broadcast %broadcast_in_dim3A_68 : f32 to vector<16x1xf32>
      %swap3A_70 = arith.constant 0 : index
      %swap3A_71 = arith.constant 0 : index
      %swap3A_72 = vector.load %arg7[%swap3A_70, %swap3A_71] : memref<16x1xf32, #tpu.memory_space<vmem>>, vector<16x1xf32>
      tpu.vector_store %arg7[%swap3A_70, %swap3A_71], %broadcast_in_dim3A_69 {strides = array<i32>} : memref<16x1xf32, #tpu.memory_space<vmem>>, vector<16x1xf32>,
      %broadcast_in_dim3A_73 = arith.constant 0.000000e+00 : f32
      %broadcast_in_dim3A_74 = vector.broadcast %broadcast_in_dim3A_73 : f32 to vector<16x1xf32>
      %swap3A_75 = arith.constant 0 : index
      %swap3A_76 = arith.constant 0 : index
      %swap3A_77 = vector.load %arg8[%swap3A_75, %swap3A_76] : memref<16x1xf32, #tpu.memory_space<vmem>>, vector<16x1xf32>
      tpu.vector_store %arg8[%swap3A_75, %swap3A_76], %broadcast_in_dim3A_74 {strides = array<i32>} : memref<16x1xf32, #tpu.memory_space<vmem>>, vector<16x1xf32>,
    } else {
    }
    %get3A = arith.constant 0 : index
    %get3A_2 = arith.constant 0 : index
    %get3A_3 = vector.load %arg2[%get3A, %get3A_2] : memref<16x2048xf32, #tpu.memory_space<vmem>>, vector<16x2048xf32>
    %get3A_4 = arith.constant 0 : index
    %get3A_5 = arith.constant 0 : index
    %get3A_6 = vector.load %arg1[%get3A_4, %get3A_5] : memref<1024x2048xf32, #tpu.memory_space<vmem>>, vector<1024x2048xf32>
    %dot_general3A = arith.constant dense<0.000000e+00> : vector<16x1024xf32>
    %dot_general3A_7 = tpu.matmul %get3A_3, %get3A_6, %dot_general3A {dimension_numbers = #tpu.dot_dimension_numbers<[1], [1], [0], [0], [0, 0, 1, 0], [], []>, transpose_lhs_hint = false} : vector<16x2048xf32>, vector<1024x2048xf32>, vector<16x1024xf32> -> vector<16x1024xf32>
    %reduce_max3A = arith.constant dense<0xFF800000> : vector<1024xf32>
    %reduce_max3A_8 = vector.multi_reduction <maximumf>, %dot_general3A_7, %reduce_max3A [0] : vector<16x1024xf32> to vector<1024xf32>
    %broadcast_in_dim3A = vector.shape_cast %reduce_max3A_8 : vector<1024xf32> to vector<1x1024xf32>
    %sub3A = vector.broadcast %broadcast_in_dim3A : vector<1x1024xf32> to vector<16x1024xf32>
    %sub3A_9 = arith.subf %dot_general3A_7, %sub3A : vector<16x1024xf32>
    %exp3A = math.exp %sub3A_9 : vector<16x1024xf32>
    %reduce_sum3A = arith.constant dense<0.000000e+00> : vector<1024xf32>
    %reduce_sum3A_10 = vector.multi_reduction <add>, %exp3A, %reduce_sum3A [0] : vector<16x1024xf32> to vector<1024xf32>
    %broadcast_in_dim3A_11 = vector.shape_cast %reduce_sum3A_10 : vector<1024xf32> to vector<1x1024xf32>
    %div3A = arith.constant 1.000000e+00 : f32
    %div3A_12 = vector.broadcast %div3A : f32 to vector<1x1024xf32>
    %div3A_13 = arith.divf %div3A_12, %broadcast_in_dim3A_11 : vector<1x1024xf32>
    %reshape3A = vector.shape_cast %div3A_13 : vector<1x1024xf32> to vector<1024xf32>
    %swap3A = arith.constant 0 : index
    %swap3A_14 = vector.load %arg3[%swap3A] : memref<1024xf32, #tpu.memory_space<vmem>>, vector<1024xf32>
    tpu.vector_store %arg3[%swap3A], %reshape3A {strides = array<i32>} : memref<1024xf32, #tpu.memory_space<vmem>>, vector<1024xf32>,
    %iota3A = tpu.iota {dimensions = array<i32: 0>} : vector<16x1024xi32>
    %eq3A_15 = vector.broadcast %broadcast_in_dim3A : vector<1x1024xf32> to vector<16x1024xf32>
    %eq3A_16 = arith.cmpf oeq, %dot_general3A_7, %eq3A_15 : vector<16x1024xf32>
    %jit3A = arith.constant 16 : i32
    %broadcast_in_dim3A_17 = vector.broadcast %jit3A : i32 to vector<16x1024xi32>
    %select_n3A = arith.select %eq3A_16, %iota3A, %broadcast_in_dim3A_17 : vector<16x1024xi1>, vector<16x1024xi32>
    %reduce_min3A = arith.constant dense<2147483647> : vector<1024xi32>
    %reduce_min3A_18 = vector.multi_reduction <minsi>, %select_n3A, %reduce_min3A [0] : vector<16x1024xi32> to vector<1024xi32>
    %broadcast_in_dim3A_19 = vector.shape_cast %reduce_min3A_18 : vector<1024xi32> to vector<1x1024xi32>
    %reshape3A_20 = vector.shape_cast %broadcast_in_dim3A_19 : vector<1x1024xi32> to vector<1024xi32>
    %swap3A_21 = arith.constant 0 : index
    %swap3A_22 = vector.load %arg4[%swap3A_21] : memref<1024xi32, #tpu.memory_space<vmem>>, vector<1024xi32>
    tpu.vector_store %arg4[%swap3A_21], %reshape3A_20 {strides = array<i32>} : memref<1024xi32, #tpu.memory_space<vmem>>, vector<1024xi32>,
    %eq3A_23 = vector.broadcast %broadcast_in_dim3A_19 : vector<1x1024xi32> to vector<16x1024xi32>
    %eq3A_24 = arith.cmpi eq, %iota3A, %eq3A_23 : vector<16x1024xi32>
    %convert_element_type3A_25 = arith.extui %eq3A_24 : vector<16x1024xi1> to vector<16x1024xi32>
    %convert_element_type3A_26 = arith.sitofp %convert_element_type3A_25 : vector<16x1024xi32> to vector<16x1024xf32>
    %iota3A_27 = tpu.iota {dimensions = array<i32: 1>} : vector<2x1024xi32>
    %iota3A_28 = tpu.iota {dimensions = array<i32: 0>} : vector<2x1024xi32>
    %shift_right_arithmetic3A = arith.constant 9 : i32
    %shift_right_arithmetic3A_29 = vector.broadcast %shift_right_arithmetic3A : i32 to vector<2x1024xi32>
    %shift_right_arithmetic3A_30 = arith.shrsi %iota3A_27, %shift_right_arithmetic3A_29 : vector<2x1024xi32>
    %eq3A_31 = arith.cmpi eq, %shift_right_arithmetic3A_30, %iota3A_28 : vector<2x1024xi32>
    %convert_element_type3A_32 = arith.extui %eq3A_31 : vector<2x1024xi1> to vector<2x1024xi32>
    %convert_element_type3A_33 = arith.sitofp %convert_element_type3A_32 : vector<2x1024xi32> to vector<2x1024xf32>
    %dot_general3A_34 = arith.constant dense<0.000000e+00> : vector<2x16xf32>
    %dot_general3A_35 = tpu.matmul %convert_element_type3A_33, %convert_element_type3A_26, %dot_general3A_34 {dimension_numbers = #tpu.dot_dimension_numbers<[1], [1], [0], [0], [0, 0, 1, 0], [], []>, transpose_lhs_hint = false} : vector<2x1024xf32>, vector<16x1024xf32>, vector<2x16xf32> -> vector<2x16xf32>
    %convert_element_type3A_36 = arith.fptosi %dot_general3A_35 : vector<2x16xf32> to vector<2x16xi32>
    %reshape3A_37 = vector.shape_cast %convert_element_type3A_36 : vector<2x16xi32> to vector<1x2x16xi32>
    %swap3A_38 = arith.constant 0 : index
    %swap3A_39 = arith.constant 0 : index
    %swap3A_40 = arith.constant 0 : index
    %swap3A_41 = vector.load %arg6[%swap3A_38, %swap3A_39, %swap3A_40] : memref<1x2x16xi32, #tpu.memory_space<vmem>>, vector<1x2x16xi32>
    tpu.vector_store %arg6[%swap3A_38, %swap3A_39, %swap3A_40], %reshape3A_37 {strides = array<i32>} : memref<1x2x16xi32, #tpu.memory_space<vmem>>, vector<1x2x16xi32>,
    %get3A_42 = arith.constant 0 : index
    %get3A_43 = arith.constant 0 : index
    %get3A_44 = vector.load %arg7[%get3A_42, %get3A_43] : memref<16x1xf32, #tpu.memory_space<vmem>>, vector<16x1xf32>
    %reduce_sum3A_45 = arith.constant dense<0.000000e+00> : vector<16xf32>
    %reduce_sum3A_46 = vector.multi_reduction <add>, %convert_element_type3A_26, %reduce_sum3A_45 [1] : vector<16x1024xf32> to vector<16xf32>
    %broadcast_in_dim3A_47 = vector.shape_cast %reduce_sum3A_46 : vector<16xf32> to vector<16x1xf32>
    %add3A = arith.addf %get3A_44, %broadcast_in_dim3A_47 : vector<16x1xf32>
    %swap3A_48 = arith.constant 0 : index
    %swap3A_49 = arith.constant 0 : index
    %swap3A_50 = vector.load %arg7[%swap3A_48, %swap3A_49] : memref<16x1xf32, #tpu.memory_space<vmem>>, vector<16x1xf32>
    tpu.vector_store %arg7[%swap3A_48, %swap3A_49], %add3A {strides = array<i32>} : memref<16x1xf32, #tpu.memory_space<vmem>>, vector<16x1xf32>,
    %get3A_51 = arith.constant 0 : index
    %get3A_52 = arith.constant 0 : index
    %get3A_53 = vector.load %arg8[%get3A_51, %get3A_52] : memref<16x1xf32, #tpu.memory_space<vmem>>, vector<16x1xf32>
    %div3A_54 = vector.broadcast %broadcast_in_dim3A_11 : vector<1x1024xf32> to vector<16x1024xf32>
    %div3A_55 = arith.divf %exp3A, %div3A_54 : vector<16x1024xf32>
    %reduce_sum3A_56 = arith.constant dense<0.000000e+00> : vector<16xf32>
    %reduce_sum3A_57 = vector.multi_reduction <add>, %div3A_55, %reduce_sum3A_56 [1] : vector<16x1024xf32> to vector<16xf32>
    %broadcast_in_dim3A_58 = vector.shape_cast %reduce_sum3A_57 : vector<16xf32> to vector<16x1xf32>
    %add3A_59 = arith.addf %get3A_53, %broadcast_in_dim3A_58 : vector<16x1xf32>
    %swap3A_60 = arith.constant 0 : index
    %swap3A_61 = arith.constant 0 : index
    %swap3A_62 = vector.load %arg8[%swap3A_60, %swap3A_61] : memref<16x1xf32, #tpu.memory_space<vmem>>, vector<16x1xf32>
    tpu.vector_store %arg8[%swap3A_60, %swap3A_61], %add3A_59 {strides = array<i32>} : memref<16x1xf32, #tpu.memory_space<vmem>>, vector<16x1xf32>,
    %eq3A_63 = arith.constant 7 : i32
    %eq3A_64 = arith.cmpi eq, %arg0, %eq3A_63 : i32
    %convert_element_type3A_65 = arith.extui %eq3A_64 : i1 to i32
    %cond3A_66 = arith.constant 0 : i32
    %cond3A_67 = arith.cmpi ne, %convert_element_type3A_65, %cond3A_66 : i32
    scf.if %cond3A_67 {
      %get3A_68 = arith.constant 0 : index
      %get3A_69 = arith.constant 0 : index
      %get3A_70 = vector.load %arg8[%get3A_68, %get3A_69] : memref<16x1xf32, #tpu.memory_space<vmem>>, vector<16x1xf32>
      %get3A_71 = arith.constant 0 : index
      %get3A_72 = arith.constant 0 : index
      %get3A_73 = vector.load %arg7[%get3A_71, %get3A_72] : memref<16x1xf32, #tpu.memory_space<vmem>>, vector<16x1xf32>
      %mul3A = arith.mulf %get3A_70, %get3A_73 : vector<16x1xf32>
      %reduce_sum3A_74 = vector.shape_cast %mul3A : vector<16x1xf32> to vector<1x16x1xf32>
      %reduce_sum3A_75 = arith.constant dense<0.000000e+00> : vector<1xf32>
      %reduce_sum3A_76 = vector.multi_reduction <add>, %reduce_sum3A_74, %reduce_sum3A_75 [1, 2] : vector<1x16x1xf32> to vector<1xf32>
      %reduce_sum3A_77 = vector.shape_cast %reduce_sum3A_76 : vector<1xf32> to vector<1x1x1xf32>
      %reduce_sum3A_78 = vector.extract %reduce_sum3A_77[0, 0, 0] : f32 from vector<1x1x1xf32>
      %mul3A_79 = arith.constant 2.38418579E-7 : f32
      %mul3A_80 = arith.mulf %reduce_sum3A_78, %mul3A_79 : f32
      %broadcast_in_dim3A_81 = vector.broadcast %mul3A_80 : f32 to vector<1x1xf32>
      %swap3A_82 = arith.constant 0 : index
      %swap3A_83 = arith.constant 0 : index
      %swap3A_84 = vector.load %arg5[%swap3A_82, %swap3A_83] : memref<1x1xf32, #tpu.memory_space<vmem>>, vector<1x1xf32>
      tpu.vector_store %arg5[%swap3A_82, %swap3A_83], %broadcast_in_dim3A_81 {strides = array<i32>} : memref<1x1xf32, #tpu.memory_space<vmem>>, vector<1x1xf32>,
    } else {
    }
    return
  }
  func.func @transform_0(%arg0: i32) -> (i32, i32) {
    %c0_i32 = arith.constant 0 : i32
    %c0_i32_0 = arith.constant 0 : i32
    return %arg0, %c0_i32 : i32, i32
  }
  func.func @transform_1(%arg0: i32) -> (i32, i32) {
    %c0_i32 = arith.constant 0 : i32
    %c0_i32_0 = arith.constant 0 : i32
    %c0_i32_1 = arith.constant 0 : i32
    return %c0_i32, %c0_i32_0 : i32, i32
  }
  func.func @transform_2(%arg0: i32) -> i32 {
    %c0_i32 = arith.constant 0 : i32
    return %arg0 : i32
  }
  func.func @transform_3(%arg0: i32) -> i32 {
    %c0_i32 = arith.constant 0 : i32
    return %arg0 : i32
  }
  func.func @transform_4(%arg0: i32) -> (i32, i32) {
    %c0_i32 = arith.constant 0 : i32
    %c0_i32_0 = arith.constant 0 : i32
    %c0_i32_1 = arith.constant 0 : i32
    return %c0_i32, %c0_i32_0 : i32, i32
  }
  func.func @transform_5(%arg0: i32) -> (i32, i32, i32) {
    %c0_i32 = arith.constant 0 : i32
    %c0_i32_0 = arith.constant 0 : i32
    %c0_i32_1 = arith.constant 0 : i32
    return %arg0, %c0_i32, %c0_i32_0 : i32, i32, i32
  }
}

</mosaic_0001>

<sc_bundles>
// kernel: kernel.4.cloned.1.call-start
scs
__scs_entry_jumppad:
0x0: {  	(pc) =	sbr.rel $0x88, $3  }
0x1: {  	(tag) =	ssettag $0x0;
	lr =	simm.s32 $0x1  }
0x2: {  	[smem:$0x3F9F] =	sst lr;
	_ =	strace $0xD0000000  }
0x3: {  	_ = 	snop  }
0x4: {  	_ = 	snop  }
0x5: {  	_ = 	snop  }
0x6: {  	_ = 	snop  }
0x7: {  	_ = 	snop  }
__scs_overlays_trampoline_lowered:
0x8: {  	[smem:$0x3FAE] =	sst s0  }
0x9: {  	[smem:$0x3FAF] =	sst s1  }
0xa: {  	[smem:$0x3FB0] =	sst s2  }
0xb: {  	[smem:$0x3FB1] =	sst s3  }
0xc: {  	[smem:$0x3FB2] =	sst s4  }
0xd: {  	[smem:$0x3FB3] =	sst s5  }
0xe: {  	[smem:$0x3FB4] =	sst s6  }
0xf: {  	[smem:$0x3FB5] =	sst s7  }
0x10: {  	[smem:$0x3FB6] =	sst s8  }
0x11: {  	[smem:$0x3FB7] =	sst s9;
	s0 =	simm.s32 @!p0 $0x0  }
0x12: {  	s1 =	sld [smem:$0x3F9D];
	s0 =	simm.s32 @p0 $0x1  }
0x13: {  	[smem:$0x3FB8] =	sst s0;
	s0 =	simm.s32 @!p1 $0x0  }
0x14: {  	s2 =	sld [smem:$0x3F9C];
	s0 =	simm.s32 @p1 $0x1  }
0x15: {  	[smem:$0x3FB9] =	sst s0;
	s0 =	simm.s32 @!p2 $0x0  }
0x16: {  	s3 =	sld [smem:$0x3FDB];
	s0 =	simm.s32 @p2 $0x1  }
0x17: {  	s4 =	simm.s32 $0x1BF5;
	[smem:$0x3FBB] =	sst s0  }
0x18: {  	s0 =	sld [smem:$0x3F9E];
	_ =	swait.ge [sflag:s4], $0x0  }
0x19: {  	s7 =	sld [smem:$0x3F9F]  }
0x1a: {  	s8 =	sadd.s32 $0xFFFFE003, lr  }
0x1b: {  	s9 =	sadd.s32 $0xFFFFFEF7, lr;
	s5 =	simm.s32 $0xFFFFFFFF;
	p2 =	slt.u32 s8, $0xFFFFF086  }
0x1c: {  	p1 =	slt.u32 s9, $0xF7A;
	s5 =	simm.s32 @!p2 $0x0  }
0x1d: {  	s5 =	simm.s32 @p1 $0x1;
	p0 =	seq.s32 s7, s2  }
0x1e: {  	s7 =	smul.u32 @!p0 $0xF7A, s2;
	p2 =	seq.s32 @!p0 s5, $0x0  }
0x1f: {  	s9 =	smul.u32 $0xF7A, s1;
	s8 =	simm.s32 @!p0 $0x1BF5;
	p2 =	por !p2, p0  }
0x20: {  	[sflag:s8] =	ssyncset.s32 @!p0 $0xFFFFF086;
	s6 =	sadd.s32 @!p0 s3, s7;
	s7 =	simm.s32 @!p0 $0x108  }
0x21: {  	s3 =	sadd.s32 s3, s9;
	s6 =	sadd.s32 @!p0 $0x88, s6;
	s7 =	simm.s32 @p2 $0x1082  }
0x22: {  	[simem:s7], [sflag:s8] =	dma.local @!p0 [hbm:s6], $0xF7A  }
0x23: {  	s9 =	sor.u32 $0xD0000000, s2;
	s6 =	simm.s32 $0x108;
	_ =	swait.ge @!p0 [sflag:s8], $0x0  }
0x24: {  	s3 =	sadd.s32 $0x88, s3;
	s6 =	simm.s32 @!p1 $0x1082;
	[sflag:s4] =	ssyncset.s32 $0xFFFFF086  }
0x25: {  	[simem:s6], [sflag:s4] =	dma.local [hbm:s3], $0xF7A  }
0x26: {  	[smem:$0x3F9F] =	sst s1;
	(tag) =	ssettag s2;
	_ =	strace s9  }
0x27: {  	s1 =	sld [smem:$0x3FAF]  }
0x28: {  	s2 =	sld [smem:$0x3FB0]  }
0x29: {  	s4 =	sld [smem:$0x3FB2]  }
0x2a: {  	p0 =	seq.s32 s5, $0x0;
	s5 =	sld [smem:$0x3FB3]  }
0x2b: {  	s6 =	sld [smem:$0x3FB4]  }
0x2c: {  	s7 =	sld [smem:$0x3FB5]  }
0x2d: {  	s3 =	simm.s32 $0x108;
	s8 =	sld [smem:$0x3FB6]  }
0x2e: {  	s3 =	simm.s32 @!p0 $0x1082;
	s9 =	sld [smem:$0x3FB7]  }
0x2f: {  	lr =	sadd.s32 s0, s3;
	s0 =	sld [smem:$0x3FAE]  }
0x30: {  	s3 =	sld [smem:$0x3FB1]  }
0x31: {  	[smem:$0x3FBA] =	sst s10  }
0x32: {  	s10 =	sld [smem:$0x3FB8];
	_ =	sdelay $0x3  }
0x33: {  	p0 =	seq.s32 s10, $0x1;
	s10 =	sld [smem:$0x3FBA];
	_ =	sdelay $0x3  }
0x34: {  	[smem:$0x3FBA] =	sst s10  }
0x35: {  	s10 =	sld [smem:$0x3FB9];
	_ =	sdelay $0x3  }
0x36: {  	p1 =	seq.s32 s10, $0x1;
	s10 =	sld [smem:$0x3FBA];
	_ =	sdelay $0x3  }
0x37: {  	[smem:$0x3FBA] =	sst s10  }
0x38: {  	s10 =	sld [smem:$0x3FBB]  }
0x39: {  	_ = 	snop;
	(pc) =	sbr.ind lr, $3  }
0x3a: {  	_ = 	snop  }
0x3b: {  	_ = 	snop  }
0x3c: {  	p2 =	seq.s32 s10, $0x1;
	s10 =	sld [smem:$0x3FBA]  }
0x3d: {  	_ =	shalt  }
0x3e: {  	_ =	shalt  }
0x3f: {  	_ =	shalt  }
0x40: {  	_ =	shalt  }
0x41: {  	_ =	shalt  }
0x42: {  	_ =	shalt  }
0x43: {  	_ =	shalt  }
0x44: {  	_ =	shalt  }
0x45: {  	_ =	shalt  }
0x46: {  	_ =	shalt  }
0x47: {  	_ =	shalt  }
0x48: {  	_ =	shalt  }
0x49: {  	_ =	shalt  }
0x4a: {  	_ =	shalt  }
0x4b: {  	_ =	shalt  }
0x4c: {  	_ =	shalt  }
0x4d: {  	_ =	shalt  }
0x4e: {  	_ =	shalt  }
0x4f: {  	_ =	shalt  }
0x50: {  	_ =	shalt  }
0x51: {  	_ =	shalt  }
0x52: {  	_ =	shalt  }
0x53: {  	_ =	shalt  }
0x54: {  	_ =	shalt  }
0x55: {  	_ =	shalt  }
0x56: {  	_ =	shalt  }
0x57: {  	_ =	shalt  }
0x58: {  	_ =	shalt  }
0x59: {  	_ =	shalt  }
0x5a: {  	_ =	shalt  }
0x5b: {  	_ =	shalt  }
0x5c: {  	_ =	shalt  }
0x5d: {  	_ =	shalt  }
0x5e: {  	_ =	shalt  }
0x5f: {  	_ =	shalt  }
0x60: {  	_ =	shalt  }
0x61: {  	_ =	shalt  }
0x62: {  	_ =	shalt  }
0x63: {  	_ =	shalt  }
0x64: {  	_ =	shalt  }
0x65: {  	_ =	shalt  }
0x66: {  	_ =	shalt  }
0x67: {  	_ =	shalt  }
0x68: {  	_ =	shalt  }
0x69: {  	_ =	shalt  }
0x6a: {  	_ =	shalt  }
0x6b: {  	_ =	shalt  }
0x6c: {  	_ =	shalt  }
0x6d: {  	_ =	shalt  }
0x6e: {  	_ =	shalt  }
0x6f: {  	_ =	shalt  }
0x70: {  	_ =	shalt  }
0x71: {  	_ =	shalt  }
0x72: {  	_ =	shalt  }
0x73: {  	_ =	shalt  }
0x74: {  	_ =	shalt  }
0x75: {  	_ =	shalt  }
0x76: {  	_ =	shalt  }
0x77: {  	_ =	shalt  }
0x78: {  	_ =	shalt  }
0x79: {  	_ =	shalt  }
0x7a: {  	_ =	shalt  }
0x7b: {  	_ =	shalt  }
0x7c: {  	_ =	shalt  }
0x7d: {  	_ =	shalt  }
0x7e: {  	_ =	shalt  }
0x7f: {  	_ =	shalt  }
0x80: {  	_ =	shalt  }
0x81: {  	_ =	shalt  }
0x82: {  	_ =	shalt  }
0x83: {  	_ =	shalt  }
0x84: {  	_ =	shalt  }
0x85: {  	_ =	shalt  }
0x86: {  	_ =	shalt  }
0x87: {  	_ =	shalt  }
.Lfunc_end0:
.L_simem_size_0:
called_computation_lowered:
.L_overlay_start_0:
0x88: {  	s0 =	sld [smem:$0x3FD9]  }
0x89: {  	s1 =	sld [smem:$0x3FFE];
	_ =	sdelay $0x3  }
0x8a: {  	s0 =	sadd.s32 s1, s0  }
0x8b: {  	[smem:$0x3FC6] =	sst s0  }
0x8c: {  	_ = 	snop  }
0x8d: {  	s0 =	sld [smem:$0x3FD0];
	_ =	sdelay $0x2  }
0x8e: {  	s13 =	simm.s32 $0xA;
	s2 =	simm.s32 $0x10  }
0x8f: {  	[smem:s2], [sflag:s13] =	dma.local [hbm:s0], $0x1  }
0x90: {  	_ =	swait.eq [sflag:s13], $0x1  }
0x91: {  	[sflag:s13] =	ssyncset.done $0x0  }
0x92: {  	s14 =	sld [smem:$0x12];
	[sflag:s13] =	ssyncadd.s32 $0xFFFFFFFF  }
0x93: {  	s15 =	sld [smem:$0x13];
	(tm) =	ssettm $0x1  }
0x94: {  	s16 =	sld [smem:$0x3FFB];
	_ =	sdelay $0x3  }
0x95: {  	_ =	strace s16  }
0x96: {  	s2 =	sld [smem:$0x3FFC];
	_ =	sdelay $0x3  }
0x97: {  	_ =	strace s2  }
0x98: {  	s2 =	sld [smem:$0x3FFD];
	_ =	sdelay $0x3  }
0x99: {  	_ =	strace s2  }
0x9a: {  	_ =	strace $0x8FFFFFFF  }
0x9b: {  	s17 =	sld [smem:$0x3FDB];
	_ =	sdelay $0x1  }
0x9c: {  	s3 =	simm.s32 $_scs_section_size  }
0x9d: {  	s4 =	simm.s32 $_size__tile_overlayer_lowered;
	s5 =	simm.s32 $_tile_overlayer_lowered  }
0x9e: {  	s20 =	simm.s32 $0x1BFF;
	s19 =	sshll.u32 s5, $0x1;
	s2 =	sadd.s32 s3, s17  }
0x9f: {  	s6 =	simm.s32 $0x0;
	s18 =	sshll.u32 s4, $0x1;
	s4 =	sadd.s32 s19, s2  }
0xa0: {  	[timem:s6], [sflag:s20] =	dma.local [hbm:s4], s18  }
0xa1: {  	_ =	swait.ge [sflag:s20], s18  }
0xa2: {  	s3 =	ssub.s32 $0x0, s18;
	[sflag:s20] =	ssyncset.done $0x0  }
0xa3: {  	[sflag:s20] =	ssyncadd.s32 s3;
	_ =	sdelay $0x1  }
0xa4: {  	s21 =	simm.s32 $0x1B8B  }
0xa5: {  	_ =	swait.ge [sflag:s21], $0x1  }
0xa6: {  	[sflag:s21] =	ssyncset.done $0x0  }
0xa7: {  	s23 =	simm.s32 $0x1B8E;
	s22 =	sld [smem:$0x3FFE];
	[sflag:s21] =	ssyncadd.s32 $0xFFFFFFFF  }
0xa8: {  	s24 =	simm.s32 $execute0_lowered;
	[smem:$0x3FD2] =	sst s23  }
0xa9: {  	s4 =	sshll.u32 s24, $0x1;
	_ =	strace $0x80000046;
	[dreg:$0x1] =	wrdreg $0xFFFFFFFF  }
0xaa: {  	s25 =	simm.s32 $_size_execute0_lowered;
	s2 =	sadd.s32 s2, s4;
	[dreg:$0x0] =	wrdreg $0x0  }
0xab: {  	s4 =	sshll.u32 s25, $0x1;
	[dreg:$0x2] =	wrdreg s2  }
0xac: {  	[dreg:$0x3] =	wrdreg s4  }
0xad: {  	[dreg:$0x4] =	wrdreg $0xC0  }
0xae: {  	_ =	task [dreg:s6], $0x5FFFF  }
0xaf: {  	[dreg:$0x1] =	wrdreg $0xFFFFFFFF  }
0xb0: {  	[dreg:$0x0] =	wrdreg $0x60  }
0xb1: {  	[dreg:$0x2] =	wrdreg s14  }
0xb2: {  	[dreg:$0x3] =	wrdreg s22  }
0xb3: {  	[dreg:$0x4] =	wrdreg s15  }
0xb4: {  	[dreg:$0x5] =	wrdreg $0x9  }
0xb5: {  	_ =	task.clear_ibuf [dreg:s6], $0x6FFFF;
	_ =	strace $0x90000046  }
0xb6: {  	s26 =	simm.s32 $0x9;
	_ =	strace $0x80000048  }
0xb7: {  	_ =	swait.ge [sflag:s26], $0x1  }
0xb8: {  	[sflag:s26] =	ssyncadd.s32 $0xFFFFFFFF  }
0xb9: {  	_ =	strace $0x90000048  }
0xba: {  	_ =	sfence  }
0xbb: {  	s28 =	sld [smem:$0x0];
	_ =	sdelay $0x1  }
0xbc: {  	s29 =	srdreg.scid  }
0xbd: {  	s30 =	sshll.u32 s29, $0xD;
	s31 =	sshrl.u32 s29, $0x2  }
0xbe: {  	s1 =	sand.u32 $0x1, s29;
	s2 =	sand.u32 $0x4000, s30;
	s0 =	sadd.s32 s31, s28  }
0xbf: {  	s1 =	sor.u32 s2, s1;
	s0 =	sshll.u32 s0, $0x11  }
0xc0: {  	s0 =	sor.u32 s0, s1  }
0xc1: {  	s0 =	sadd.s32 $0x8F2B, s0  }
0xc2: {  	[sflag:s0] =	ssyncadd.remote.s32 $0x1  }
0xc3: {  	_ =	sfence.sel $0xFFFF  }
0xc4: {  	[dreg:$0x0] =	wrdreg $0xFFFFFFFF;
	(pc) =	sbr.abs _section_cstart, $3  }
0xc5: {  	[dreg:$0x1] =	wrdreg $0xFFFFFFFF  }
0xc6: {  	_ =	task.clear_ibuf [dreg:s6], $0x2FFFF;
	_ =	strace $0x9FFFFFFF  }
0xc7: {  	(tm) =	ssettm $0x7FFFFFFF  }
tec
execute0_lowered:
.L_overlay_start_1:
0x0: {  	(tag) =	ssettag $0x1  }
0x1: {  	s4 =	rddreg [dreg:$0x0]  }
0x2: {  	s5 =	rddreg [dreg:$0x1]  }
0x3: {  	s1 =	rddreg [dreg:$0x2]  }
0x4: {  	s0 =	rddreg [dreg:$0x3];
	s6 =	simm.s32 $0x0;
	s3 =	stileid.u32  }
0x5: {  	[smem:$0x7FF] =	sst s6;
	s2 =	sshll.u32 s3, $0x6  }
0x6: {  	s7 =	simm.s32 $0x1;
	_ =	strace $0x80000047;
	s4 =	sadd.s32 s4, s2  }
0x7: {  	[tilespmem:s6], [sflag:$0x1] =	stream.linear.gather [hbm4b:s4+s6], $0x200, $0x38;
	[tilespmem:$0x500] =	vst v63  }
0x8: {  	_ =	swait.ge [sflag:s7], $0x200  }
0x9: {  	[sflag:s7] =	ssyncset.done $0x0  }
0xa: {  	s31 =	simm.s32 $0x400;
	s30 =	sadd.s32 $0x800, s5;
	[sflag:s7] =	ssyncadd.s32 $0xFFFFFE00  }
0xb: {  	[tilespmem:s31], [sflag:$0x1] =	stream.linear.gather [hbm4b:s30+s6], $0x100, $0x38;
	[tilespmem:$0x500] =	vst v63  }
0xc: {  	_ =	swait.ge [sflag:s7], $0x100  }
0xd: {  	[sflag:s7] =	ssyncset.done $0x0  }
0xe: {  	[sflag:s7] =	ssyncadd.s32 $0xFFFFFF00  }
0xf: {  	v0 =	vld [tilespmem:$0x400]  }
0x10: {  	v1 =	vld [tilespmem:$0x410]  }
0x11: {  	v2 =	vld [tilespmem:$0x420]  }
0x12: {  	p1 =	sgt.u32 s3, $0x1;
	s5 =	simm.s32 $0x1;
	v3 =	vld [tilespmem:$0x430]  }
0x13: {  	p0 =	sne.s32 s3, $0x0;
	s5 =	simm.s32 @!p1 $0x0;
	s4 =	simm.s32 $0x1;
	v4 =	vld [tilespmem:$0x440]  }
0x14: {  	p1 =	sgt.u32 s3, $0x2;
	s4 =	simm.s32 @!p0 $0x0;
	s6 =	simm.s32 $0x1;
	v5 =	vld [tilespmem:$0x450]  }
0x15: {  	s6 =	simm.s32 @!p1 $0x0;
	p1 =	sgt.u32 s3, $0x3;
	s7 =	simm.s32 $0x1;
	v6 =	vld [tilespmem:$0x460];
	v0 =	vmul.u32 s4, v0;
	v1 =	vmul.u32 s5, v1  }
0x16: {  	s7 =	simm.s32 @!p1 $0x0;
	p1 =	sgt.u32 s3, $0x4;
	v7 =	vld [tilespmem:$0x470];
	s4 =	simm.s32 $0x1;
	v2 =	vmul.u32 s6, v2  }
0x17: {  	s5 =	simm.s32 $0x1;
	s4 =	simm.s32 @!p1 $0x0;
	p1 =	sgt.u32 s3, $0x5;
	v0 =	vadd.s32 v0, v1;
	v1 =	vmul.u32 s7, v3;
	v3 =	vld [tilespmem:$0x480]  }
0x18: {  	s6 =	simm.s32 $0x1;
	s5 =	simm.s32 @!p1 $0x0;
	p1 =	sgt.u32 s3, $0x6;
	v0 =	vadd.s32 v2, v0;
	v2 =	vmul.u32 s4, v4;
	v4 =	vld [tilespmem:$0x490]  }
0x19: {  	s6 =	simm.s32 @!p1 $0x0;
	p1 =	sgt.u32 s3, $0x7;
	s4 =	simm.s32 $0x1;
	v0 =	vadd.s32 v1, v0;
	v1 =	vmul.u32 s5, v5;
	v5 =	vld [tilespmem:$0x4A0]  }
0x1a: {  	s4 =	simm.s32 @!p1 $0x0;
	p1 =	sgt.u32 s3, $0x8;
	s5 =	simm.s32 $0x1;
	v0 =	vadd.s32 v2, v0;
	v2 =	vmul.u32 s6, v6;
	v6 =	vld [tilespmem:$0x4B0]  }
0x1b: {  	s5 =	simm.s32 @!p1 $0x0;
	p1 =	sgt.u32 s3, $0x9;
	s6 =	simm.s32 $0x1;
	v0 =	vadd.s32 v1, v0;
	v1 =	vmul.u32 s4, v7;
	v7 =	vld [tilespmem:$0x4C0]  }
0x1c: {  	v12 =	vimm.s32 $0x0;
	s6 =	simm.s32 @!p1 $0x0;
	p1 =	sgt.u32 s3, $0xA;
	s4 =	simm.s32 $0x1;
	v0 =	vadd.s32 v2, v0;
	v2 =	vmul.u32 s5, v3  }
0x1d: {  	vm0 =	vmxor vm0, vm0;
	s4 =	simm.s32 @!p1 $0x0;
	p1 =	sgt.u32 s3, $0xB;
	s5 =	simm.s32 $0x1;
	v0 =	vadd.s32 v1, v0;
	v1 =	vmul.u32 s6, v4;
	v4 =	vld [tilespmem:$0x4E0]  }
0x1e: {  	v17 =	vlaneseq.u32;
	s5 =	simm.s32 @!p1 $0x0;
	p1 =	sgt.u32 s3, $0xC;
	s6 =	simm.s32 $0x1;
	v0 =	vadd.s32 v2, v0;
	v2 =	vmul.u32 s4, v5  }
0x1f: {  	v14 =	vimm.s32 $0x1;
	v3 =	vld [tilespmem:$0x4D0];
	s6 =	simm.s32 @!p1 $0x0;
	p1 =	sgt.u32 s3, $0xD;
	s4 =	simm.s32 $0x1;
	v0 =	vadd.s32 v1, v0;
	v1 =	vmul.u32 s5, v6  }
0x20: {  	vm9 =	vmmov $0x1;
	s4 =	simm.s32 @!p1 $0x0;
	p1 =	seq.s32 s3, $0xF;
	s3 =	simm.s32 $0x1;
	v0 =	vadd.s32 v2, v0;
	v2 =	vmul.u32 s6, v7  }
0x21: {  	v18 =	vimm.s32 $0x2;
	vm14 =	vmmov $0x3;
	s3 =	simm.s32 @!p1 $0x0;
	v0 =	vadd.s32 v1, v0  }
0x22: {  	v15 =	vimm.s32 $0x3;
	v0 =	vadd.s32 v2, v0;
	v2 =	vmul.u32 s3, v4;
	s3 =	simm.s32 $0x0  }
0x23: {  	vm8 =	vmmov $0x7;
	v16 =	vimm.s32 $0x4;
	v13 =	vimm.s32 $0x5;
	v22 =	vld [tilespmem:s3+$0x0]  }
0x24: {  	vm6 =	vmmov $0x1f;
	v11 =	vimm.s32 $0x6;
	v1 =	vmul.u32 s4, v3  }
0x25: {  	vm5 =	vmmov $0x3f;
	v9 =	vimm.s32 $0x7;
	v8 =	vmpcnt.ones.xlane vm0  }
0x26: {  	v5 =	vimm.s32 $0x9;
	v7 =	vimm.s32 $0xB;
	v0 =	vadd.s32 v1, v0  }
0x27: {  	v3 =	vimm.s32 $0xD;
	v1 =	vimm.s32 $0xF;
	v0 =	vadd.s32 v2, v0  }
0x28: {  	v2 =	vimm.s32 $0xE;
	v23 =	vperm.xlane v22, v1;
	v20 =	vperm.xlane v22, v3  }
0x29: {  	v4 =	vimm.s32 $0xC;
	v26 =	vperm.xlane v22, v2;
	v19 =	vperm.xlane v22, v7  }
0x2a: {  	v10 =	vimm.s32 $0xA;
	v21 =	vperm.xlane v22, v4;
	v24 =	vperm.xlane v22, v5  }
0x2b: {  	v6 =	vimm.s32 $0x8;
	v25 =	vperm.xlane v22, v10;
	v27 =	vperm.xlane v22, v9  }
0x2c: {  	vm7 =	vmmov $0x7f;
	v28 =	vperm.xlane v22, v6;
	v62 =	vperm.xlane v22, v12  }
0x2d: {  	vm4 =	vmmov $0xff;
	v30 =	vperm.xlane v22, v11;
	v31 =	vperm.xlane v22, v14  }
0x2e: {  	v29 =	vimm.s32 $0x0;
	v32 =	vperm.xlane v22, v13;
	v63 =	vperm.xlane v22, v18  }
0x2f: {  	vm0 =	vmmov $0xf;
	v33 =	vperm.xlane v22, v16;
	v34 =	vperm.xlane v22, v15  }
0x30: {  	vm1 =	veq.s32 v22, v19;
	vm2 =	veq.s32 v22, v27;
	vm3 =	veq.s32 v62, v17  }
0x31: {  	vm10 =	veq.s32 v31, v17;
	v29 =	vsel vm1, $0xFFFFFFFF, v29;
	vm1 =	veq.s32 v22, v24  }
0x32: {  	v35 =	vsel vm3, $0x1, v12;
	v36 =	vsel vm10, $0x1, v12;
	vm3 =	veq.s32 v63, v17  }
0x33: {  	v35 =	vadd.s32 v35, v0;
	v37 =	vsel vm3, $0x1, v12;
	vm3 =	veq.s32 v34, v17  }
0x34: {  	v35 =	vadd.s32 v36, v35;
	v42 =	vsel vm3, $0x1, v12;
	vm3 =	veq.s32 v33, v17  }
0x35: {  	v35 =	vadd.s32 v37, v35;
	v43 =	vsel vm3, $0x1, v12;
	vm3 =	veq.s32 v32, v17  }
0x36: {  	v35 =	vadd.s32 v42, v35;
	v44 =	vsel vm3, $0x1, v12;
	vm3 =	veq.s32 v30, v17  }
0x37: {  	v35 =	vadd.s32 v43, v35;
	v45 =	vsel vm3, $0x1, v12;
	vm3 =	veq.s32 v27, v17  }
0x38: {  	v27 =	vadd.s32 v44, v35;
	v46 =	vsel vm3, $0x1, v12;
	vm3 =	veq.s32 v28, v17  }
0x39: {  	v27 =	vadd.s32 v45, v27;
	v47 =	vsel vm3, $0x1, v12;
	vm3 =	veq.s32 v24, v17  }
0x3a: {  	v24 =	vadd.s32 v46, v27;
	v27 =	vsel vm3, $0x1, v12;
	vm3 =	veq.s32 v25, v17  }
0x3b: {  	vm11 =	veq.s32 v22, v63;
	v48 =	vsel vm3, $0x1, v12;
	vm3 =	veq.s32 v19, v17  }
0x3c: {  	vm10 =	veq.s32 v21, v17;
	v49 =	vsel vm3, $0x1, v12;
	vm3 =	veq.s32 v20, v17  }
0x3d: {  	v38 =	vsel vm10, $0x1, v12;
	v39 =	vsel vm3, $0x1, v12;
	vm3 =	veq.s32 v26, v17  }
0x3e: {  	vm10 =	veq.s32 v22, v31;
	v50 =	vsel vm3, $0x1, v12;
	vm3 =	veq.s32 v23, v17  }
0x3f: {  	vm12 =	veq.s32 v22, v32;
	v51 =	vsel vm3, $0x1, v12;
	vm3 =	vmand vm10, vm9  }
0x40: {  	vm10 =	veq.s32 v22, v34;
	v19 =	vmpcnt.ones.xlane vm3;
	vm3 =	vmand vm11, vm14  }
0x41: {  	vm11 =	veq.s32 v22, v33;
	v52 =	vmpcnt.ones.xlane vm3;
	vm3 =	vmand vm10, vm8  }
0x42: {  	vm2 =	vmand vm2, vm7;
	v53 =	vmpcnt.ones.xlane vm3;
	vm3 =	vmand vm11, vm0  }
0x43: {  	v54 =	vmpcnt.ones.xlane vm3;
	vm3 =	vmand vm12, vm6;
	vm12 =	veq.s32 v22, v30  }
0x44: {  	v24 =	vadd.s32 v47, v24;
	v55 =	vmpcnt.ones.xlane vm3;
	vm3 =	vmand vm12, vm5  }
0x45: {  	v24 =	vadd.s32 v27, v24;
	v27 =	vmpcnt.ones.xlane vm3;
	vm3 =	veq.s32 v22, v28  }
0x46: {  	[tilespmem:$0x1FF90] =	vst v29;
	v56 =	vmpcnt.ones.xlane vm2;
	vm2 =	vmand vm3, vm4  }
0x47: {  	v61 =	vld [tilespmem:$0x1FF90];
	v57 =	vmpcnt.ones.xlane vm2;
	vm2 =	veq.s32 v22, v25;
	v25 =	vimm.s32 $0x0  }
0x48: {  	vm13 =	vmmov $0x1ff;
	v25 =	vsel vm14, $0xFFFFFFFF, v25  }
0x49: {  	vm15 =	vmmov $0x3ff;
	v19 =	vsel vm9, v8, v19;
	[tilespmem:$0x1FF60] =	vst v25;
	v25 =	vimm.s32 $0x0  }
0x4a: {  	v60 =	vimm.s32 $0x0;
	v19 =	vsel vm14, v19, v52;
	v25 =	vsel vm8, $0xFFFFFFFF, v25  }
0x4b: {  	v62 =	vimm.s32 $0x0;
	v32 =	vsel vm0, $0xFFFFFFFF, v60;
	[tilespmem:$0x1FF70] =	vst v25;
	v25 =	vsel vm8, v19, v53  }
0x4c: {  	vm10 =	vmmov $0x7ff;
	v25 =	vsel vm0, v25, v54;
	vm0 =	vnez.u8 v61  }
0x4d: {  	vm1 =	vmand vm1, vm13;
	v24 =	vadd.s32 v48, v24;
	vm0 =	vmand vm0, vm10  }
0x4e: {  	v58 =	vmpcnt.ones.xlane vm1;
	v24 =	vadd.s32 v49, v24;
	v63 =	vmpcnt.ones.xlane vm0  }
0x4f: {  	vm0 =	veq.s32 v22, v21;
	v21 =	vadd.s32 v38, v24;
	v24 =	vimm.s32 $0x0  }
0x50: {  	[tilespmem:$0x1FF80] =	vst v32;
	v32 =	vsel vm6, $0xFFFFFFFF, v62;
	v25 =	vsel vm6, v25, v55;
	v24 =	vsel vm5, $0xFFFFFFFF, v24  }
0x51: {  	vm11 =	vmmov $0xfff;
	[tilespmem:$0x1FFB0] =	vst v24;
	v24 =	vsel vm5, v25, v27;
	v25 =	vimm.s32 $0x0  }
0x52: {  	vm12 =	vmmov $0x1fff;
	vm0 =	vmand vm0, vm11;
	v25 =	vsel vm7, $0xFFFFFFFF, v25  }
0x53: {  	vm3 =	vmmov vm13;
	v21 =	vadd.s32 v39, v21;
	[tilespmem:$0x1FFC0] =	vst v25;
	v25 =	vmpcnt.ones.xlane vm0  }
0x54: {  	vm0 =	veq.s32 v22, v20;
	v20 =	vadd.s32 v50, v21;
	v21 =	vimm.s32 $0x0  }
0x55: {  	vm13 =	vmmov $0x3fff;
	vm1 =	vmand vm2, vm15;
	v21 =	vsel vm4, $0xFFFFFFFF, v21  }
0x56: {  	v24 =	vsel vm7, v24, v56;
	[tilespmem:$0x1FFD0] =	vst v21;
	v21 =	vadd.s32 v51, v20;
	v20 =	vimm.s32 $0x0  }
0x57: {  	vm14 =	vmmov $0x7fff;
	v24 =	vsel vm4, v24, v57;
	v20 =	vsel vm3, $0xFFFFFFFF, v20  }
0x58: {  	v59 =	vmpcnt.ones.xlane vm1;
	[tilespmem:$0x1FFE0] =	vst v20;
	v20 =	vsel vm3, v24, v58;
	v24 =	vimm.s32 $0x0  }
0x59: {  	v19 =	vadd.s32 $0x10, v22;
	vm0 =	vmand vm0, vm12;
	v24 =	vsel vm15, $0xFFFFFFFF, v24  }
0x5a: {  	s5 =	simm.s32 $0x10;
	v27 =	vsel vm15, v20, v59;
	[tilespmem:$0x1FFF0] =	vst v24;
	v24 =	vmpcnt.ones.xlane vm0;
	vm0 =	veq.s32 v22, v26  }
0x5b: {  	s4 =	simm.s32 $0x80;
	[tilespmem:$0x1FFA0] =	vst v32;
	v20 =	vld [tilespmem:s5+$0x0];
	vm15 =	veq.s32 v22, v23;
	v26 =	vsel vm10, v27, v63;
	vm0 =	vmand vm0, vm13  }
.LBB2_1:
0x5c: {  	_ =	sdelay $0x1  }
0x5d: {  	v22 =	vsel vm11, v26, v25;
	v23 =	vmpcnt.ones.xlane vm0;
	vm0 =	vmand vm15, vm14  }
0x5e: {  	v25 =	vperm.xlane v0, v19;
	v19 =	vsel vm12, v22, v24;
	v22 =	vmpcnt.ones.xlane vm0  }
0x5f: {  	v23 =	vsel vm13, v19, v23;
	v26 =	vperm.xlane v20, v3  }
0x60: {  	v23 =	vsel vm14, v23, v22;
	v22 =	vperm.xlane v20, v2;
	v27 =	vperm.xlane v20, v7  }
0x61: {  	v25 =	vadd.s32 v25, v23;
	v23 =	vperm.xlane v20, v4;
	v28 =	vperm.xlane v20, v10  }
0x62: {  	v29 =	vperm.xlane v20, v9;
	v30 =	vperm.xlane v20, v6  }
0x63: {  	v31 =	vperm.xlane v20, v12;
	v32 =	vperm.xlane v20, v11  }
0x64: {  	v33 =	vperm.xlane v20, v14;
	v34 =	vperm.xlane v20, v13  }
0x65: {  	v56 =	vperm.xlane v20, v18;
	v35 =	vperm.xlane v20, v16  }
0x66: {  	v37 =	vperm.xlane v20, v15;
	[tilespmem:s3+$0x200] =	vst v25;
	v25 =	vperm.xlane v20, v5  }
0x67: {  	vm1 =	veq.s32 v20, v27;
	vm3 =	veq.s32 v20, v29;
	vm4 =	veq.s32 v31, v17  }
0x68: {  	vm2 =	veq.s32 v20, v25;
	v36 =	vsel vm4, $0x1, v12;
	vm4 =	veq.s32 v33, v17  }
0x69: {  	v0 =	vmovc v21;
	v38 =	vsel vm4, $0x1, v12;
	vm4 =	veq.s32 v56, v17;
	v21 =	vadd.s32 v36, v21  }
0x6a: {  	v57 =	vsel vm4, $0x1, v12;
	vm4 =	veq.s32 v37, v17;
	v21 =	vadd.s32 v38, v21  }
0x6b: {  	v58 =	vsel vm4, $0x1, v12;
	vm4 =	veq.s32 v35, v17;
	v21 =	vadd.s32 v57, v21  }
0x6c: {  	v59 =	vsel vm4, $0x1, v12;
	vm4 =	veq.s32 v34, v17;
	v21 =	vadd.s32 v58, v21  }
0x6d: {  	v60 =	vsel vm4, $0x1, v12;
	vm4 =	veq.s32 v32, v17;
	v21 =	vadd.s32 v59, v21  }
0x6e: {  	v61 =	vsel vm4, $0x1, v12;
	vm4 =	veq.s32 v29, v17;
	v21 =	vadd.s32 v60, v21  }
0x6f: {  	v29 =	vsel vm4, $0x1, v12;
	vm4 =	veq.s32 v30, v17;
	v21 =	vadd.s32 v61, v21  }
0x70: {  	v62 =	vsel vm4, $0x1, v12;
	vm4 =	veq.s32 v25, v17;
	v21 =	vadd.s32 v29, v21  }
0x71: {  	v25 =	vsel vm4, $0x1, v12;
	vm4 =	veq.s32 v28, v17;
	v21 =	vadd.s32 v62, v21  }
0x72: {  	v63 =	vsel vm4, $0x1, v12;
	vm4 =	veq.s32 v27, v17;
	v21 =	vadd.s32 v25, v21  }
0x73: {  	v25 =	vsel vm4, $0x1, v12;
	vm4 =	veq.s32 v23, v17;
	v21 =	vadd.s32 v63, v21  }
0x74: {  	v27 =	vsel vm4, $0x1, v12;
	vm4 =	veq.s32 v26, v17;
	v21 =	vadd.s32 v25, v21  }
0x75: {  	v25 =	vsel vm4, $0x1, v12;
	vm4 =	veq.s32 v22, v17;
	v21 =	vadd.s32 v27, v21  }
0x76: {  	vm0 =	veq.s32 v20, v26;
	v26 =	vsel vm4, $0x1, v12;
	v21 =	vadd.s32 v25, v21;
	v25 =	vld [tilespmem:$0x1FF60]  }
0x77: {  	v24 =	vperm.xlane v20, v1;
	v21 =	vadd.s32 v26, v21;
	v26 =	vld [tilespmem:$0x1FF70];
	_ =	sdelay $0x1  }
0x78: {  	vm15 =	veq.s32 v20, v24;
	vm5 =	veq.s32 v20, v33;
	vm4 =	veq.s32 v24, v17  }
0x79: {  	v24 =	vsel vm4, $0x1, v12;
	vm4 =	vmand vm5, vm9;
	vm5 =	veq.s32 v20, v56  }
0x7a: {  	v21 =	vadd.s32 v24, v21;
	v24 =	vmpcnt.ones.xlane vm4;
	vm7 =	vnez.u8 v25  }
0x7b: {  	vm4 =	vmand vm5, vm7;
	vm5 =	veq.s32 v20, v37;
	vm8 =	vnez.u8 v26  }
0x7c: {  	v27 =	vld [tilespmem:$0x1FF80];
	v25 =	vmpcnt.ones.xlane vm4;
	vm4 =	vmand vm5, vm8  }
0x7d: {  	v24 =	vsel vm9, v8, v24;
	v26 =	vmpcnt.ones.xlane vm4  }
0x7e: {  	v24 =	vsel vm7, v24, v25  }
0x7f: {  	v24 =	vsel vm8, v24, v26;
	v26 =	vld [tilespmem:$0x1FFA0];
	_ =	sdelay $0x1  }
0x80: {  	vm6 =	vnez.u8 v27;
	v27 =	vld [tilespmem:$0x1FFC0]  }
0x81: {  	vm5 =	veq.s32 v20, v35  }
0x82: {  	vm4 =	vmand vm5, vm6  }
0x83: {  	v25 =	vmpcnt.ones.xlane vm4;
	vm8 =	vnez.u8 v26;
	v26 =	vld [tilespmem:$0x1FFB0];
	_ =	sdelay $0x1  }
0x84: {  	v24 =	vsel vm6, v24, v25;
	vm6 =	vnez.u8 v27;
	v27 =	vld [tilespmem:$0x1FFD0];
	_ =	sdelay $0x1  }
0x85: {  	vm4 =	veq.s32 v20, v34  }
0x86: {  	vm5 =	veq.s32 v20, v32;
	vm4 =	vmand vm4, vm8;
	vm7 =	vnez.u8 v26  }
0x87: {  	vm3 =	vmand vm3, vm6;
	v25 =	vmpcnt.ones.xlane vm4;
	vm4 =	vmand vm5, vm7  }
0x88: {  	vm5 =	vnez.u8 v27;
	v26 =	vmpcnt.ones.xlane vm4;
	vm4 =	veq.s32 v20, v30  }
0x89: {  	v24 =	vsel vm8, v24, v25;
	v25 =	vmpcnt.ones.xlane vm3;
	vm3 =	vmand vm4, vm5  }
0x8a: {  	v27 =	vld [tilespmem:$0x1FFE0];
	v24 =	vsel vm7, v24, v26;
	v26 =	vmpcnt.ones.xlane vm3  }
0x8b: {  	v24 =	vsel vm6, v24, v25  }
0x8c: {  	v24 =	vsel vm5, v24, v26;
	v26 =	vld [tilespmem:$0x1FFF0];
	_ =	sdelay $0x2  }
0x8d: {  	vm3 =	vnez.u8 v27  }
0x8e: {  	vm2 =	vmand vm2, vm3  }
0x8f: {  	p1 =	sne.s32 s4, $0x7C0;
	v25 =	vmpcnt.ones.xlane vm2;
	vm2 =	veq.s32 v20, v28;
	vm4 =	vnez.u8 v26  }
.Ltmp0:
0x90: {  	v19 =	vadd.s32 $0x10, v20;
	vm1 =	vmand vm1, vm10;
	vm2 =	vmand vm2, vm4;
	(pc) =	sbr.rel @p1 .LBB2_1-.Ltmp0, $4  }
0x91: {  	v24 =	vsel vm3, v24, v25;
	v25 =	vmpcnt.ones.xlane vm2;
	vm2 =	veq.s32 v20, v23  }
0x92: {  	vm0 =	vmand vm0, vm12;
	v23 =	vmpcnt.ones.xlane vm1;
	vm1 =	vmand vm2, vm11  }
0x93: {  	s3 =	smov.u32 s5;
	s5 =	sshra.s32 s4, $0x2;
	v24 =	vsel vm4, v24, v25;
	v25 =	vmpcnt.ones.xlane vm1;
	vm1 =	veq.s32 v20, v22  }
0x94: {  	s4 =	sadd.s32 $0x40, s4;
	v20 =	vld [tilespmem:s5+$0x0];
	v26 =	vsel vm10, v24, v23;
	v24 =	vmpcnt.ones.xlane vm0;
	vm0 =	vmand vm1, vm13  }
0x95: {  	_ =	sdelay $0x2  }
0x96: {  	v39 =	vmpcnt.ones.xlane vm0  }
0x97: {  	v0 =	vperm.xlane v0, v19;
	v12 =	vperm.xlane v20, v14  }
0x98: {  	v23 =	vperm.xlane v20, v18;
	v15 =	vperm.xlane v20, v15  }
0x99: {  	v29 =	vld [tilespmem:$0x1FF60];
	v28 =	vperm.xlane v20, v16;
	v31 =	vperm.xlane v20, v13  }
0x9a: {  	v32 =	vld [tilespmem:$0x1FF70];
	v11 =	vperm.xlane v20, v11;
	v9 =	vperm.xlane v20, v9  }
0x9b: {  	v34 =	vld [tilespmem:$0x1FF80];
	v6 =	vperm.xlane v20, v6;
	v7 =	vperm.xlane v20, v7  }
0x9c: {  	v5 =	vperm.xlane v20, v5;
	v42 =	vperm.xlane v20, v10  }
0x9d: {  	v4 =	vperm.xlane v20, v4;
	v3 =	vperm.xlane v20, v3  }
0x9e: {  	v53 =	vsel vm11, v26, v25;
	v2 =	vperm.xlane v20, v2;
	v1 =	vperm.xlane v20, v1  }
0x9f: {  	v45 =	vld [tilespmem:$0x1FFD0];
	v60 =	vadd.s32 $0x10, v20;
	vm3 =	vnez.u8 v29;
	vm1 =	veq.s32 v20, v12  }
0xa0: {  	v36 =	vld [tilespmem:$0x1FFA0];
	vm4 =	vnez.u8 v32;
	vm5 =	vnez.u8 v34;
	vm1 =	vmand vm1, vm9  }
0xa1: {  	v38 =	vld [tilespmem:$0x1FFB0];
	vm8 =	veq.s32 v20, v23;
	vm2 =	veq.s32 v20, v28;
	v27 =	vmpcnt.ones.xlane vm1  }
0xa2: {  	vm7 =	veq.s32 v20, v31;
	vm6 =	vmand vm2, vm5;
	vm1 =	vmand vm8, vm3  }
0xa3: {  	v30 =	vmpcnt.ones.xlane vm1;
	v8 =	vsel vm9, v8, v27;
	vm9 =	veq.s32 v20, v15  }
0xa4: {  	v41 =	vld [tilespmem:$0x1FFC0];
	vm2 =	vnez.u8 v45;
	v35 =	vmpcnt.ones.xlane vm6;
	vm1 =	vmand vm9, vm4  }
0xa5: {  	v47 =	vld [tilespmem:$0x1FFE0];
	v8 =	vsel vm3, v8, v30;
	vm3 =	vnez.u8 v36;
	v33 =	vmpcnt.ones.xlane vm1  }
0xa6: {  	vm8 =	veq.s32 v20, v11;
	vm9 =	vnez.u8 v38;
	vm1 =	vmand vm7, vm3  }
0xa7: {  	vm6 =	vmand vm8, vm9;
	v37 =	vmpcnt.ones.xlane vm1;
	v8 =	vsel vm4, v8, v33  }
0xa8: {  	v49 =	vld [tilespmem:$0x1FFF0];
	vm7 =	veq.s32 v20, v9;
	vm8 =	veq.s32 v20, v6;
	v8 =	vsel vm5, v8, v35  }
0xa9: {  	v40 =	vmpcnt.ones.xlane vm6;
	v8 =	vsel vm3, v8, v37;
	vm3 =	vnez.u8 v41  }
0xaa: {  	vm6 =	veq.s32 v20, v7;
	vm4 =	vnez.u8 v47;
	vm0 =	vmand vm7, vm3  }
0xab: {  	v44 =	vsel vm9, v8, v40;
	vm9 =	veq.s32 v20, v5;
	v43 =	vmpcnt.ones.xlane vm0  }
0xac: {  	vm0 =	vmand vm8, vm2;
	vm7 =	vmand vm9, vm4;
	vm8 =	veq.s32 v20, v42  }
0xad: {  	vm9 =	vnez.u8 v49;
	v46 =	vmpcnt.ones.xlane vm0;
	v48 =	vmpcnt.ones.xlane vm7  }
0xae: {  	vm5 =	vmand vm8, vm9;
	vm7 =	vmand vm15, vm14;
	vm0 =	vmand vm6, vm10  }
0xaf: {  	vm8 =	veq.s32 v20, v4;
	vm15 =	veq.s32 v20, v1;
	v6 =	vsel vm3, v44, v43  }
0xb0: {  	v4 =	vsel vm12, v53, v24;
	v50 =	vmpcnt.ones.xlane vm5;
	v5 =	vsel vm2, v6, v46  }
0xb1: {  	v52 =	vmpcnt.ones.xlane vm0;
	vm0 =	vmand vm8, vm11;
	v5 =	vsel vm4, v5, v48  }
0xb2: {  	v54 =	vmpcnt.ones.xlane vm0;
	v5 =	vsel vm9, v5, v50;
	vm9 =	veq.s32 v20, v3  }
0xb3: {  	vm0 =	vmand vm9, vm12;
	v55 =	vsel vm10, v5, v52;
	vm10 =	veq.s32 v20, v2  }
0xb4: {  	v51 =	vmpcnt.ones.xlane vm7;
	v56 =	vmpcnt.ones.xlane vm0;
	vm1 =	vmand vm10, vm13  }
0xb5: {  	v57 =	vsel vm11, v55, v54;
	vm0 =	vmand vm15, vm14;
	v58 =	vmpcnt.ones.xlane vm1  }
0xb6: {  	v4 =	vsel vm13, v4, v39;
	v59 =	vmpcnt.ones.xlane vm0;
	v1 =	vsel vm12, v57, v56  }
0xb7: {  	v62 =	vperm.xlane v21, v60;
	v61 =	vsel vm14, v4, v51;
	v1 =	vsel vm13, v1, v58  }
0xb8: {  	v0 =	vadd.s32 v0, v61;
	v1 =	vsel vm14, v1, v59  }
0xb9: {  	s1 =	sadd.s32 s1, s2;
	[tilespmem:s3+$0x200] =	vst v0;
	v63 =	vadd.s32 v62, v1  }
0xba: {  	s29 =	simm.s32 $0x0;
	s30 =	simm.s32 $0x200;
	s31 =	simm.s32 $0x1;
	[tilespmem:s5+$0x200] =	vst v63  }
0xbb: {  	[hbm4b:s1+s29] =	stream.linear.scatter [tilespmem:s30], [sflag:$0x1], $0x200, $0x38;
	[tilespmem:$0x500] =	vst v63  }
0xbc: {  	_ =	swait.ge [sflag:s31], $0x200  }
0xbd: {  	[sflag:s31] =	ssyncset.done $0x0  }
0xbe: {  	[sflag:s31] =	ssyncadd.s32 $0xFFFFFE00  }
0xbf: {  	_ =	sfence.sel $0x180000  }
0xc0: {  	[bflag:$0x0] =	sbarrier.arrive $0xFFFF  }
0xc1: {  	_ =	strace $0x90000047  }
0xc2: {  	s0 =	sadd.s32 @!p0 $0x100000, s0;
	[bflag:$0x2] =	sbarrier.arrive $0xFFFF  }
0xc3: {  	[sflag:s0] =	ssyncadd.tile.s32 @!p0 $0x1;
	_ =	shalt  }
.Lfunc_end2:
_tile_overlayer_lowered:
.L_overlay_start_2:
0xc4: {  	(tag) =	ssettag $0x2  }
0xc5: {  	s0 =	rddreg [dreg:$0x0];
	s2 =	stileid.u32  }
0xc6: {  	s1 =	rddreg [dreg:$0x1];
	p0 =	sne.s32 s2, $0x0  }
0xc7: {  	s3 =	rddreg [dreg:$0x2];
	[bflag:$0x3] =	sbarrier.arrive $0xFFFF;
	s2 =	simm.s32 @!p0 $0x1C01  }
0xc8: {  	[timem:s3], [sflag:s2] =	dma.local @!p0 [hbm:s0], s1  }
0xc9: {  	s0 =	simm.s32 @!p0 $0x1  }
0xca: {  	_ =	swait.ge @!p0 [sflag:s0], s1  }
0xcb: {  	s1 =	ssub.s32 @!p0 $0x0, s1;
	[sflag:s0] =	ssyncset.done @!p0 $0x0  }
0xcc: {  	[sflag:s0] =	ssyncadd.s32 @!p0 s1  }
0xcd: {  	[bflag:$0x3] =	sbarrier.arrive $0xFFFF  }
0xce: {  	_ =	shalt  }

</sc_bundles>
